<compile_context>
chip_gen: v7x
topology: tpu7x:2x2x1
jax: 0.10.2.dev20260603
libtpu: 0.0.44.dev20260713+nightly
codegen_flags: <defaults>
</compile_context>

<pallas_src>
import jax
import jax.numpy as jnp
from jax import lax
from jax.experimental import pallas as pl
from jax.experimental.pallas import tpu as pltpu
from jax.experimental.pallas import tpu_sc as plsc

_N = 100000
_D = 128
_P = 50000

_NT = 16
_N_PAD = 102400
_RPT = _N_PAD // _NT
_CHUNK = 128
_NCH = 25
_P_PAD = _NT * _NCH * _CHUNK


def _mask_sc_kernel(idx_hbm, zeros_hbm, mask_hbm, idx_v, ones_v, sem):
    tid = lax.axis_index("s")

    for i in range(_NCH * _CHUNK // 16):
        ones_v[pl.ds(i * 16, 16)] = jnp.ones((16,), jnp.float32)

    zc = pltpu.async_copy(zeros_hbm, mask_hbm.at[pl.ds(tid * _RPT, _RPT)], sem)
    ic = pltpu.async_copy(idx_hbm.at[tid], idx_v, sem)
    zc.wait()
    ic.wait()
    plsc.subcore_barrier()

    pltpu.async_copy(ones_v, mask_hbm.at[idx_v], sem).wait()


def _build_mask(idx3, zeros):
    mesh = plsc.VectorSubcoreMesh(
        core_axis_name="c", subcore_axis_name="s", num_cores=1)
    k = pl.kernel(
        _mask_sc_kernel,
        out_type=jax.ShapeDtypeStruct((_N_PAD,), jnp.float32),
        mesh=mesh,
        scratch_types=[
            pltpu.VMEM((_NCH * _CHUNK,), jnp.int32),
            pltpu.VMEM((_NCH * _CHUNK,), jnp.float32),
            pltpu.SemaphoreType.DMA,
        ],
    )
    return k(idx3, zeros)


def _update_tc_kernel(x_ref, w_ref, b_ref, m_ref, o_ref):
    x = x_ref[...]
    y = lax.dot_general(x, w_ref[...], (((1,), (1,)), ((), ())),
                        preferred_element_type=jnp.float32) + b_ref[...]
    o_ref[...] = jnp.where(m_ref[...] > 0.0, y, x)


_BLK = 4000


def kernel(node_tensor, partition_idx, W, b):
    idx = partition_idx.astype(jnp.int32)
    pad = jnp.broadcast_to(idx[:1], (_P_PAD - _P,))
    idx3 = jnp.concatenate([idx, pad]).reshape(_NT, _NCH * _CHUNK)
    zeros = jnp.zeros((_RPT,), jnp.float32)
    mask = _build_mask(idx3, zeros).reshape(_N_PAD, 1)
    out = pl.pallas_call(
        _update_tc_kernel,
        grid=(_N // _BLK,),
        in_specs=[
            pl.BlockSpec((_BLK, _D), lambda i: (i, 0)),
            pl.BlockSpec((_D, _D), lambda i: (0, 0)),
            pl.BlockSpec((1, _D), lambda i: (0, 0)),
            pl.BlockSpec((_BLK, 1), lambda i: (i, 0)),
        ],
        out_specs=pl.BlockSpec((_BLK, _D), lambda i: (i, 0)),
        out_shape=jax.ShapeDtypeStruct((_N, _D), jnp.float32),
    )(node_tensor, W, b.reshape(1, _D), mask)
    return out

# --- scband reference (transcript-rebuilt; emitter-appended) ---
"""Pipeline reference for scband-all-nodes-55843164783208 (READ-ONLY COPY).

The authoritative reference and input builder live on the scoring server;
editing this copy changes nothing except your own understanding.
"""

import jax, jax.numpy as jnp
import numpy as np

N = 100000
D = 128
P = 50000

def setup_inputs(seed: int = 0) -> dict:
    key = jax.random.key(seed)
    k1, k2, k3, k4 = jax.random.split(key, 4)
    node_tensor = jax.random.normal(k1, (N, D), dtype=jnp.float32)
    partition_idx = jax.random.randint(k2, (P,), 0, N, dtype=jnp.int64)
    W = jax.random.normal(k3, (D, D), dtype=jnp.float32) * (1.0 / np.sqrt(D))
    b = jax.random.normal(k4, (D,), dtype=jnp.float32) * 0.01
    return {"node_tensor": node_tensor, "partition_idx": partition_idx, "W": W, "b": b}

def reference(node_tensor, partition_idx, W, b):
    # AllNodes.forward on a PartitionedNodeGraphTensor with an active partition view:
    #   graph._node_tensor[partition, :] = self.node_update(graph._node_tensor[partition, :])
    # node_update is nn.Linear(D, D): y = x @ W.T + b
    gathered = jnp.take(node_tensor, partition_idx, axis=0)          # gather
    updated = gathered @ W.T + b                                     # node_update (Linear)
    out = node_tensor.at[partition_idx].set(updated)                 # scatter-overwrite
    return out

if __name__ == "__main__":
    import jax
    _d = setup_inputs()
    print(jax.jit(kernel)(*tuple(_d.values())))

</pallas_src>

<mosaic_0001>
#map = affine_map<(d0, d1) -> (0, 0)>
#map1 = affine_map<(d0, d1) -> (0)>
module attributes {stable_mosaic.version = 14 : i64} {
  func.func @_mask_sc_kernel(%arg0: i32, %arg1: i32, %arg2: memref<16x3200xi32, #tpu.memory_space<hbm>>, %arg3: memref<6400xf32, #tpu.memory_space<hbm>>, %arg4: memref<102400xf32, #tpu.memory_space<hbm>>, %arg5: memref<3200xi32, #tpu.memory_space<vmem>>, %arg6: memref<3200xf32, #tpu.memory_space<vmem>>, %arg7: memref<!tpu.dma_semaphore, #tpu.memory_space<semaphore_mem>>) attributes {dimension_semantics = [#tpu.dimension_semantics<core_parallel>, #tpu.dimension_semantics<subcore_parallel>], iteration_bounds = array<i64: 1, 16>, scalar_prefetch = 0 : i64, scratch_operands = 3 : i64, tpu.core_type = #tpu.core_type<sc_vector_subcore>, window_params = [{transform_indices = #map}, {transform_indices = #map1}, {transform_indices = #map1}]} {
    %broadcast_in_dim3A = arith.constant 1.000000e+00 : f32
    %broadcast_in_dim3A_0 = vector.broadcast %broadcast_in_dim3A : f32 to vector<16xf32>
    %swap3A = arith.constant 0 : index
    %swap3A_1 = tpu.vector_load %arg6[%swap3A] {strides = array<i32>} : memref<3200xf32, #tpu.memory_space<vmem>>, vector<16xf32>,
    %swap3A_2 = vector.shape_cast %swap3A_1 : vector<16xf32> to vector<16xf32>
    %swap3A_3 = vector.shape_cast %broadcast_in_dim3A_0 : vector<16xf32> to vector<16xf32>
    tpu.vector_store %arg6[%swap3A], %swap3A_3 {strides = array<i32>} : memref<3200xf32, #tpu.memory_space<vmem>>, vector<16xf32>,
    %broadcast_in_dim3A_4 = arith.constant 1.000000e+00 : f32
    %broadcast_in_dim3A_5 = vector.broadcast %broadcast_in_dim3A_4 : f32 to vector<16xf32>
    %swap3A_6 = arith.constant 16 : index
    %swap3A_7 = tpu.vector_load %arg6[%swap3A_6] {strides = array<i32>} : memref<3200xf32, #tpu.memory_space<vmem>>, vector<16xf32>,
    %swap3A_8 = vector.shape_cast %swap3A_7 : vector<16xf32> to vector<16xf32>
    %swap3A_9 = vector.shape_cast %broadcast_in_dim3A_5 : vector<16xf32> to vector<16xf32>
    tpu.vector_store %arg6[%swap3A_6], %swap3A_9 {strides = array<i32>} : memref<3200xf32, #tpu.memory_space<vmem>>, vector<16xf32>,
    %broadcast_in_dim3A_10 = arith.constant 1.000000e+00 : f32
    %broadcast_in_dim3A_11 = vector.broadcast %broadcast_in_dim3A_10 : f32 to vector<16xf32>
    %swap3A_12 = arith.constant 32 : index
    %swap3A_13 = tpu.vector_load %arg6[%swap3A_12] {strides = array<i32>} : memref<3200xf32, #tpu.memory_space<vmem>>, vector<16xf32>,
    %swap3A_14 = vector.shape_cast %swap3A_13 : vector<16xf32> to vector<16xf32>
    %swap3A_15 = vector.shape_cast %broadcast_in_dim3A_11 : vector<16xf32> to vector<16xf32>
    tpu.vector_store %arg6[%swap3A_12], %swap3A_15 {strides = array<i32>} : memref<3200xf32, #tpu.memory_space<vmem>>, vector<16xf32>,
    %broadcast_in_dim3A_16 = arith.constant 1.000000e+00 : f32
    %broadcast_in_dim3A_17 = vector.broadcast %broadcast_in_dim3A_16 : f32 to vector<16xf32>
    %swap3A_18 = arith.constant 48 : index
    %swap3A_19 = tpu.vector_load %arg6[%swap3A_18] {strides = array<i32>} : memref<3200xf32, #tpu.memory_space<vmem>>, vector<16xf32>,
    %swap3A_20 = vector.shape_cast %swap3A_19 : vector<16xf32> to vector<16xf32>
    %swap3A_21 = vector.shape_cast %broadcast_in_dim3A_17 : vector<16xf32> to vector<16xf32>
    tpu.vector_store %arg6[%swap3A_18], %swap3A_21 {strides = array<i32>} : memref<3200xf32, #tpu.memory_space<vmem>>, vector<16xf32>,
    %broadcast_in_dim3A_22 = arith.constant 1.000000e+00 : f32
    %broadcast_in_dim3A_23 = vector.broadcast %broadcast_in_dim3A_22 : f32 to vector<16xf32>
    %swap3A_24 = arith.constant 64 : index
    %swap3A_25 = tpu.vector_load %arg6[%swap3A_24] {strides = array<i32>} : memref<3200xf32, #tpu.memory_space<vmem>>, vector<16xf32>,
    %swap3A_26 = vector.shape_cast %swap3A_25 : vector<16xf32> to vector<16xf32>
    %swap3A_27 = vector.shape_cast %broadcast_in_dim3A_23 : vector<16xf32> to vector<16xf32>
    tpu.vector_store %arg6[%swap3A_24], %swap3A_27 {strides = array<i32>} : memref<3200xf32, #tpu.memory_space<vmem>>, vector<16xf32>,
    %broadcast_in_dim3A_28 = arith.constant 1.000000e+00 : f32
    %broadcast_in_dim3A_29 = vector.broadcast %broadcast_in_dim3A_28 : f32 to vector<16xf32>
    %swap3A_30 = arith.constant 80 : index
    %swap3A_31 = tpu.vector_load %arg6[%swap3A_30] {strides = array<i32>} : memref<3200xf32, #tpu.memory_space<vmem>>, vector<16xf32>,
    %swap3A_32 = vector.shape_cast %swap3A_31 : vector<16xf32> to vector<16xf32>
    %swap3A_33 = vector.shape_cast %broadcast_in_dim3A_29 : vector<16xf32> to vector<16xf32>
    tpu.vector_store %arg6[%swap3A_30], %swap3A_33 {strides = array<i32>} : memref<3200xf32, #tpu.memory_space<vmem>>, vector<16xf32>,
    %broadcast_in_dim3A_34 = arith.constant 1.000000e+00 : f32
    %broadcast_in_dim3A_35 = vector.broadcast %broadcast_in_dim3A_34 : f32 to vector<16xf32>
    %swap3A_36 = arith.constant 96 : index
    %swap3A_37 = tpu.vector_load %arg6[%swap3A_36] {strides = array<i32>} : memref<3200xf32, #tpu.memory_space<vmem>>, vector<16xf32>,
    %swap3A_38 = vector.shape_cast %swap3A_37 : vector<16xf32> to vector<16xf32>
    %swap3A_39 = vector.shape_cast %broadcast_in_dim3A_35 : vector<16xf32> to vector<16xf32>
    tpu.vector_store %arg6[%swap3A_36], %swap3A_39 {strides = array<i32>} : memref<3200xf32, #tpu.memory_space<vmem>>, vector<16xf32>,
    %broadcast_in_dim3A_40 = arith.constant 1.000000e+00 : f32
    %broadcast_in_dim3A_41 = vector.broadcast %broadcast_in_dim3A_40 : f32 to vector<16xf32>
    %swap3A_42 = arith.constant 112 : index
    %swap3A_43 = tpu.vector_load %arg6[%swap3A_42] {strides = array<i32>} : memref<3200xf32, #tpu.memory_space<vmem>>, vector<16xf32>,
    %swap3A_44 = vector.shape_cast %swap3A_43 : vector<16xf32> to vector<16xf32>
    %swap3A_45 = vector.shape_cast %broadcast_in_dim3A_41 : vector<16xf32> to vector<16xf32>
    tpu.vector_store %arg6[%swap3A_42], %swap3A_45 {strides = array<i32>} : memref<3200xf32, #tpu.memory_space<vmem>>, vector<16xf32>,
    %broadcast_in_dim3A_46 = arith.constant 1.000000e+00 : f32
    %broadcast_in_dim3A_47 = vector.broadcast %broadcast_in_dim3A_46 : f32 to vector<16xf32>
    %swap3A_48 = arith.constant 128 : index
    %swap3A_49 = tpu.vector_load %arg6[%swap3A_48] {strides = array<i32>} : memref<3200xf32, #tpu.memory_space<vmem>>, vector<16xf32>,
    %swap3A_50 = vector.shape_cast %swap3A_49 : vector<16xf32> to vector<16xf32>
    %swap3A_51 = vector.shape_cast %broadcast_in_dim3A_47 : vector<16xf32> to vector<16xf32>
    tpu.vector_store %arg6[%swap3A_48], %swap3A_51 {strides = array<i32>} : memref<3200xf32, #tpu.memory_space<vmem>>, vector<16xf32>,
    %broadcast_in_dim3A_52 = arith.constant 1.000000e+00 : f32
    %broadcast_in_dim3A_53 = vector.broadcast %broadcast_in_dim3A_52 : f32 to vector<16xf32>
    %swap3A_54 = arith.constant 144 : index
    %swap3A_55 = tpu.vector_load %arg6[%swap3A_54] {strides = array<i32>} : memref<3200xf32, #tpu.memory_space<vmem>>, vector<16xf32>,
    %swap3A_56 = vector.shape_cast %swap3A_55 : vector<16xf32> to vector<16xf32>
    %swap3A_57 = vector.shape_cast %broadcast_in_dim3A_53 : vector<16xf32> to vector<16xf32>
    tpu.vector_store %arg6[%swap3A_54], %swap3A_57 {strides = array<i32>} : memref<3200xf32, #tpu.memory_space<vmem>>, vector<16xf32>,
    %broadcast_in_dim3A_58 = arith.constant 1.000000e+00 : f32
    %broadcast_in_dim3A_59 = vector.broadcast %broadcast_in_dim3A_58 : f32 to vector<16xf32>
    %swap3A_60 = arith.constant 160 : index
    %swap3A_61 = tpu.vector_load %arg6[%swap3A_60] {strides = array<i32>} : memref<3200xf32, #tpu.memory_space<vmem>>, vector<16xf32>,
    %swap3A_62 = vector.shape_cast %swap3A_61 : vector<16xf32> to vector<16xf32>
    %swap3A_63 = vector.shape_cast %broadcast_in_dim3A_59 : vector<16xf32> to vector<16xf32>
    tpu.vector_store %arg6[%swap3A_60], %swap3A_63 {strides = array<i32>} : memref<3200xf32, #tpu.memory_space<vmem>>, vector<16xf32>,
    %broadcast_in_dim3A_64 = arith.constant 1.000000e+00 : f32
    %broadcast_in_dim3A_65 = vector.broadcast %broadcast_in_dim3A_64 : f32 to vector<16xf32>
    %swap3A_66 = arith.constant 176 : index
    %swap3A_67 = tpu.vector_load %arg6[%swap3A_66] {strides = array<i32>} : memref<3200xf32, #tpu.memory_space<vmem>>, vector<16xf32>,
    %swap3A_68 = vector.shape_cast %swap3A_67 : vector<16xf32> to vector<16xf32>
    %swap3A_69 = vector.shape_cast %broadcast_in_dim3A_65 : vector<16xf32> to vector<16xf32>
    tpu.vector_store %arg6[%swap3A_66], %swap3A_69 {strides = array<i32>} : memref<3200xf32, #tpu.memory_space<vmem>>, vector<16xf32>,
    %broadcast_in_dim3A_70 = arith.constant 1.000000e+00 : f32
    %broadcast_in_dim3A_71 = vector.broadcast %broadcast_in_dim3A_70 : f32 to vector<16xf32>
    %swap3A_72 = arith.constant 192 : index
    %swap3A_73 = tpu.vector_load %arg6[%swap3A_72] {strides = array<i32>} : memref<3200xf32, #tpu.memory_space<vmem>>, vector<16xf32>,
    %swap3A_74 = vector.shape_cast %swap3A_73 : vector<16xf32> to vector<16xf32>
    %swap3A_75 = vector.shape_cast %broadcast_in_dim3A_71 : vector<16xf32> to vector<16xf32>
    tpu.vector_store %arg6[%swap3A_72], %swap3A_75 {strides = array<i32>} : memref<3200xf32, #tpu.memory_space<vmem>>, vector<16xf32>,
    %broadcast_in_dim3A_76 = arith.constant 1.000000e+00 : f32
    %broadcast_in_dim3A_77 = vector.broadcast %broadcast_in_dim3A_76 : f32 to vector<16xf32>
    %swap3A_78 = arith.constant 208 : index
    %swap3A_79 = tpu.vector_load %arg6[%swap3A_78] {strides = array<i32>} : memref<3200xf32, #tpu.memory_space<vmem>>, vector<16xf32>,
    %swap3A_80 = vector.shape_cast %swap3A_79 : vector<16xf32> to vector<16xf32>
    %swap3A_81 = vector.shape_cast %broadcast_in_dim3A_77 : vector<16xf32> to vector<16xf32>
    tpu.vector_store %arg6[%swap3A_78], %swap3A_81 {strides = array<i32>} : memref<3200xf32, #tpu.memory_space<vmem>>, vector<16xf32>,
    %broadcast_in_dim3A_82 = arith.constant 1.000000e+00 : f32
    %broadcast_in_dim3A_83 = vector.broadcast %broadcast_in_dim3A_82 : f32 to vector<16xf32>
    %swap3A_84 = arith.constant 224 : index
    %swap3A_85 = tpu.vector_load %arg6[%swap3A_84] {strides = array<i32>} : memref<3200xf32, #tpu.memory_space<vmem>>, vector<16xf32>,
    %swap3A_86 = vector.shape_cast %swap3A_85 : vector<16xf32> to vector<16xf32>
    %swap3A_87 = vector.shape_cast %broadcast_in_dim3A_83 : vector<16xf32> to vector<16xf32>
    tpu.vector_store %arg6[%swap3A_84], %swap3A_87 {strides = array<i32>} : memref<3200xf32, #tpu.memory_space<vmem>>, vector<16xf32>,
    %broadcast_in_dim3A_88 = arith.constant 1.000000e+00 : f32
    %broadcast_in_dim3A_89 = vector.broadcast %broadcast_in_dim3A_88 : f32 to vector<16xf32>
    %swap3A_90 = arith.constant 240 : index
    %swap3A_91 = tpu.vector_load %arg6[%swap3A_90] {strides = array<i32>} : memref<3200xf32, #tpu.memory_space<vmem>>, vector<16xf32>,
    %swap3A_92 = vector.shape_cast %swap3A_91 : vector<16xf32> to vector<16xf32>
    %swap3A_93 = vector.shape_cast %broadcast_in_dim3A_89 : vector<16xf32> to vector<16xf32>
    tpu.vector_store %arg6[%swap3A_90], %swap3A_93 {strides = array<i32>} : memref<3200xf32, #tpu.memory_space<vmem>>, vector<16xf32>,
    %broadcast_in_dim3A_94 = arith.constant 1.000000e+00 : f32
    %broadcast_in_dim3A_95 = vector.broadcast %broadcast_in_dim3A_94 : f32 to vector<16xf32>
    %swap3A_96 = arith.constant 256 : index
    %swap3A_97 = tpu.vector_load %arg6[%swap3A_96] {strides = array<i32>} : memref<3200xf32, #tpu.memory_space<vmem>>, vector<16xf32>,
    %swap3A_98 = vector.shape_cast %swap3A_97 : vector<16xf32> to vector<16xf32>
    %swap3A_99 = vector.shape_cast %broadcast_in_dim3A_95 : vector<16xf32> to vector<16xf32>
    tpu.vector_store %arg6[%swap3A_96], %swap3A_99 {strides = array<i32>} : memref<3200xf32, #tpu.memory_space<vmem>>, vector<16xf32>,
    %broadcast_in_dim3A_100 = arith.constant 1.000000e+00 : f32
    %broadcast_in_dim3A_101 = vector.broadcast %broadcast_in_dim3A_100 : f32 to vector<16xf32>
    %swap3A_102 = arith.constant 272 : index
    %swap3A_103 = tpu.vector_load %arg6[%swap3A_102] {strides = array<i32>} : memref<3200xf32, #tpu.memory_space<vmem>>, vector<16xf32>,
    %swap3A_104 = vector.shape_cast %swap3A_103 : vector<16xf32> to vector<16xf32>
    %swap3A_105 = vector.shape_cast %broadcast_in_dim3A_101 : vector<16xf32> to vector<16xf32>
    tpu.vector_store %arg6[%swap3A_102], %swap3A_105 {strides = array<i32>} : memref<3200xf32, #tpu.memory_space<vmem>>, vector<16xf32>,
    %broadcast_in_dim3A_106 = arith.constant 1.000000e+00 : f32
    %broadcast_in_dim3A_107 = vector.broadcast %broadcast_in_dim3A_106 : f32 to vector<16xf32>
    %swap3A_108 = arith.constant 288 : index
    %swap3A_109 = tpu.vector_load %arg6[%swap3A_108] {strides = array<i32>} : memref<3200xf32, #tpu.memory_space<vmem>>, vector<16xf32>,
    %swap3A_110 = vector.shape_cast %swap3A_109 : vector<16xf32> to vector<16xf32>
    %swap3A_111 = vector.shape_cast %broadcast_in_dim3A_107 : vector<16xf32> to vector<16xf32>
    tpu.vector_store %arg6[%swap3A_108], %swap3A_111 {strides = array<i32>} : memref<3200xf32, #tpu.memory_space<vmem>>, vector<16xf32>,
    %broadcast_in_dim3A_112 = arith.constant 1.000000e+00 : f32
    %broadcast_in_dim3A_113 = vector.broadcast %broadcast_in_dim3A_112 : f32 to vector<16xf32>
    %swap3A_114 = arith.constant 304 : index
    %swap3A_115 = tpu.vector_load %arg6[%swap3A_114] {strides = array<i32>} : memref<3200xf32, #tpu.memory_space<vmem>>, vector<16xf32>,
    %swap3A_116 = vector.shape_cast %swap3A_115 : vector<16xf32> to vector<16xf32>
    %swap3A_117 = vector.shape_cast %broadcast_in_dim3A_113 : vector<16xf32> to vector<16xf32>
    tpu.vector_store %arg6[%swap3A_114], %swap3A_117 {strides = array<i32>} : memref<3200xf32, #tpu.memory_space<vmem>>, vector<16xf32>,
    %broadcast_in_dim3A_118 = arith.constant 1.000000e+00 : f32
    %broadcast_in_dim3A_119 = vector.broadcast %broadcast_in_dim3A_118 : f32 to vector<16xf32>
    %swap3A_120 = arith.constant 320 : index
    %swap3A_121 = tpu.vector_load %arg6[%swap3A_120] {strides = array<i32>} : memref<3200xf32, #tpu.memory_space<vmem>>, vector<16xf32>,
    %swap3A_122 = vector.shape_cast %swap3A_121 : vector<16xf32> to vector<16xf32>
    %swap3A_123 = vector.shape_cast %broadcast_in_dim3A_119 : vector<16xf32> to vector<16xf32>
    tpu.vector_store %arg6[%swap3A_120], %swap3A_123 {strides = array<i32>} : memref<3200xf32, #tpu.memory_space<vmem>>, vector<16xf32>,
    %broadcast_in_dim3A_124 = arith.constant 1.000000e+00 : f32
    %broadcast_in_dim3A_125 = vector.broadcast %broadcast_in_dim3A_124 : f32 to vector<16xf32>
    %swap3A_126 = arith.constant 336 : index
    %swap3A_127 = tpu.vector_load %arg6[%swap3A_126] {strides = array<i32>} : memref<3200xf32, #tpu.memory_space<vmem>>, vector<16xf32>,
    %swap3A_128 = vector.shape_cast %swap3A_127 : vector<16xf32> to vector<16xf32>
    %swap3A_129 = vector.shape_cast %broadcast_in_dim3A_125 : vector<16xf32> to vector<16xf32>
    tpu.vector_store %arg6[%swap3A_126], %swap3A_129 {strides = array<i32>} : memref<3200xf32, #tpu.memory_space<vmem>>, vector<16xf32>,
    %broadcast_in_dim3A_130 = arith.constant 1.000000e+00 : f32
    %broadcast_in_dim3A_131 = vector.broadcast %broadcast_in_dim3A_130 : f32 to vector<16xf32>
    %swap3A_132 = arith.constant 352 : index
    %swap3A_133 = tpu.vector_load %arg6[%swap3A_132] {strides = array<i32>} : memref<3200xf32, #tpu.memory_space<vmem>>, vector<16xf32>,
    %swap3A_134 = vector.shape_cast %swap3A_133 : vector<16xf32> to vector<16xf32>
    %swap3A_135 = vector.shape_cast %broadcast_in_dim3A_131 : vector<16xf32> to vector<16xf32>
    tpu.vector_store %arg6[%swap3A_132], %swap3A_135 {strides = array<i32>} : memref<3200xf32, #tpu.memory_space<vmem>>, vector<16xf32>,
    %broadcast_in_dim3A_136 = arith.constant 1.000000e+00 : f32
    %broadcast_in_dim3A_137 = vector.broadcast %broadcast_in_dim3A_136 : f32 to vector<16xf32>
    %swap3A_138 = arith.constant 368 : index
    %swap3A_139 = tpu.vector_load %arg6[%swap3A_138] {strides = array<i32>} : memref<3200xf32, #tpu.memory_space<vmem>>, vector<16xf32>,
    %swap3A_140 = vector.shape_cast %swap3A_139 : vector<16xf32> to vector<16xf32>
    %swap3A_141 = vector.shape_cast %broadcast_in_dim3A_137 : vector<16xf32> to vector<16xf32>
    tpu.vector_store %arg6[%swap3A_138], %swap3A_141 {strides = array<i32>} : memref<3200xf32, #tpu.memory_space<vmem>>, vector<16xf32>,
    %broadcast_in_dim3A_142 = arith.constant 1.000000e+00 : f32
    %broadcast_in_dim3A_143 = vector.broadcast %broadcast_in_dim3A_142 : f32 to vector<16xf32>
    %swap3A_144 = arith.constant 384 : index
    %swap3A_145 = tpu.vector_load %arg6[%swap3A_144] {strides = array<i32>} : memref<3200xf32, #tpu.memory_space<vmem>>, vector<16xf32>,
    %swap3A_146 = vector.shape_cast %swap3A_145 : vector<16xf32> to vector<16xf32>
    %swap3A_147 = vector.shape_cast %broadcast_in_dim3A_143 : vector<16xf32> to vector<16xf32>
    tpu.vector_store %arg6[%swap3A_144], %swap3A_147 {strides = array<i32>} : memref<3200xf32, #tpu.memory_space<vmem>>, vector<16xf32>,
    %broadcast_in_dim3A_148 = arith.constant 1.000000e+00 : f32
    %broadcast_in_dim3A_149 = vector.broadcast %broadcast_in_dim3A_148 : f32 to vector<16xf32>
    %swap3A_150 = arith.constant 400 : index
    %swap3A_151 = tpu.vector_load %arg6[%swap3A_150] {strides = array<i32>} : memref<3200xf32, #tpu.memory_space<vmem>>, vector<16xf32>,
    %swap3A_152 = vector.shape_cast %swap3A_151 : vector<16xf32> to vector<16xf32>
    %swap3A_153 = vector.shape_cast %broadcast_in_dim3A_149 : vector<16xf32> to vector<16xf32>
    tpu.vector_store %arg6[%swap3A_150], %swap3A_153 {strides = array<i32>} : memref<3200xf32, #tpu.memory_space<vmem>>, vector<16xf32>,
    %broadcast_in_dim3A_154 = arith.constant 1.000000e+00 : f32
    %broadcast_in_dim3A_155 = vector.broadcast %broadcast_in_dim3A_154 : f32 to vector<16xf32>
    %swap3A_156 = arith.constant 416 : index
    %swap3A_157 = tpu.vector_load %arg6[%swap3A_156] {strides = array<i32>} : memref<3200xf32, #tpu.memory_space<vmem>>, vector<16xf32>,
    %swap3A_158 = vector.shape_cast %swap3A_157 : vector<16xf32> to vector<16xf32>
    %swap3A_159 = vector.shape_cast %broadcast_in_dim3A_155 : vector<16xf32> to vector<16xf32>
    tpu.vector_store %arg6[%swap3A_156], %swap3A_159 {strides = array<i32>} : memref<3200xf32, #tpu.memory_space<vmem>>, vector<16xf32>,
    %broadcast_in_dim3A_160 = arith.constant 1.000000e+00 : f32
    %broadcast_in_dim3A_161 = vector.broadcast %broadcast_in_dim3A_160 : f32 to vector<16xf32>
    %swap3A_162 = arith.constant 432 : index
    %swap3A_163 = tpu.vector_load %arg6[%swap3A_162] {strides = array<i32>} : memref<3200xf32, #tpu.memory_space<vmem>>, vector<16xf32>,
    %swap3A_164 = vector.shape_cast %swap3A_163 : vector<16xf32> to vector<16xf32>
    %swap3A_165 = vector.shape_cast %broadcast_in_dim3A_161 : vector<16xf32> to vector<16xf32>
    tpu.vector_store %arg6[%swap3A_162], %swap3A_165 {strides = array<i32>} : memref<3200xf32, #tpu.memory_space<vmem>>, vector<16xf32>,
    %broadcast_in_dim3A_166 = arith.constant 1.000000e+00 : f32
    %broadcast_in_dim3A_167 = vector.broadcast %broadcast_in_dim3A_166 : f32 to vector<16xf32>
    %swap3A_168 = arith.constant 448 : index
    %swap3A_169 = tpu.vector_load %arg6[%swap3A_168] {strides = array<i32>} : memref<3200xf32, #tpu.memory_space<vmem>>, vector<16xf32>,
    %swap3A_170 = vector.shape_cast %swap3A_169 : vector<16xf32> to vector<16xf32>
    %swap3A_171 = vector.shape_cast %broadcast_in_dim3A_167 : vector<16xf32> to vector<16xf32>
    tpu.vector_store %arg6[%swap3A_168], %swap3A_171 {strides = array<i32>} : memref<3200xf32, #tpu.memory_space<vmem>>, vector<16xf32>,
    %broadcast_in_dim3A_172 = arith.constant 1.000000e+00 : f32
    %broadcast_in_dim3A_173 = vector.broadcast %broadcast_in_dim3A_172 : f32 to vector<16xf32>
    %swap3A_174 = arith.constant 464 : index
    %swap3A_175 = tpu.vector_load %arg6[%swap3A_174] {strides = array<i32>} : memref<3200xf32, #tpu.memory_space<vmem>>, vector<16xf32>,
    %swap3A_176 = vector.shape_cast %swap3A_175 : vector<16xf32> to vector<16xf32>
    %swap3A_177 = vector.shape_cast %broadcast_in_dim3A_173 : vector<16xf32> to vector<16xf32>
    tpu.vector_store %arg6[%swap3A_174], %swap3A_177 {strides = array<i32>} : memref<3200xf32, #tpu.memory_space<vmem>>, vector<16xf32>,
    %broadcast_in_dim3A_178 = arith.constant 1.000000e+00 : f32
    %broadcast_in_dim3A_179 = vector.broadcast %broadcast_in_dim3A_178 : f32 to vector<16xf32>
    %swap3A_180 = arith.constant 480 : index
    %swap3A_181 = tpu.vector_load %arg6[%swap3A_180] {strides = array<i32>} : memref<3200xf32, #tpu.memory_space<vmem>>, vector<16xf32>,
    %swap3A_182 = vector.shape_cast %swap3A_181 : vector<16xf32> to vector<16xf32>
    %swap3A_183 = vector.shape_cast %broadcast_in_dim3A_179 : vector<16xf32> to vector<16xf32>
    tpu.vector_store %arg6[%swap3A_180], %swap3A_183 {strides = array<i32>} : memref<3200xf32, #tpu.memory_space<vmem>>, vector<16xf32>,
    %broadcast_in_dim3A_184 = arith.constant 1.000000e+00 : f32
    %broadcast_in_dim3A_185 = vector.broadcast %broadcast_in_dim3A_184 : f32 to vector<16xf32>
    %swap3A_186 = arith.constant 496 : index
    %swap3A_187 = tpu.vector_load %arg6[%swap3A_186] {strides = array<i32>} : memref<3200xf32, #tpu.memory_space<vmem>>, vector<16xf32>,
    %swap3A_188 = vector.shape_cast %swap3A_187 : vector<16xf32> to vector<16xf32>
    %swap3A_189 = vector.shape_cast %broadcast_in_dim3A_185 : vector<16xf32> to vector<16xf32>
    tpu.vector_store %arg6[%swap3A_186], %swap3A_189 {strides = array<i32>} : memref<3200xf32, #tpu.memory_space<vmem>>, vector<16xf32>,
    %broadcast_in_dim3A_190 = arith.constant 1.000000e+00 : f32
    %broadcast_in_dim3A_191 = vector.broadcast %broadcast_in_dim3A_190 : f32 to vector<16xf32>
    %swap3A_192 = arith.constant 512 : index
    %swap3A_193 = tpu.vector_load %arg6[%swap3A_192] {strides = array<i32>} : memref<3200xf32, #tpu.memory_space<vmem>>, vector<16xf32>,
    %swap3A_194 = vector.shape_cast %swap3A_193 : vector<16xf32> to vector<16xf32>
    %swap3A_195 = vector.shape_cast %broadcast_in_dim3A_191 : vector<16xf32> to vector<16xf32>
    tpu.vector_store %arg6[%swap3A_192], %swap3A_195 {strides = array<i32>} : memref<3200xf32, #tpu.memory_space<vmem>>, vector<16xf32>,
    %broadcast_in_dim3A_196 = arith.constant 1.000000e+00 : f32
    %broadcast_in_dim3A_197 = vector.broadcast %broadcast_in_dim3A_196 : f32 to vector<16xf32>
    %swap3A_198 = arith.constant 528 : index
    %swap3A_199 = tpu.vector_load %arg6[%swap3A_198] {strides = array<i32>} : memref<3200xf32, #tpu.memory_space<vmem>>, vector<16xf32>,
    %swap3A_200 = vector.shape_cast %swap3A_199 : vector<16xf32> to vector<16xf32>
    %swap3A_201 = vector.shape_cast %broadcast_in_dim3A_197 : vector<16xf32> to vector<16xf32>
    tpu.vector_store %arg6[%swap3A_198], %swap3A_201 {strides = array<i32>} : memref<3200xf32, #tpu.memory_space<vmem>>, vector<16xf32>,
    %broadcast_in_dim3A_202 = arith.constant 1.000000e+00 : f32
    %broadcast_in_dim3A_203 = vector.broadcast %broadcast_in_dim3A_202 : f32 to vector<16xf32>
    %swap3A_204 = arith.constant 544 : index
    %swap3A_205 = tpu.vector_load %arg6[%swap3A_204] {strides = array<i32>} : memref<3200xf32, #tpu.memory_space<vmem>>, vector<16xf32>,
    %swap3A_206 = vector.shape_cast %swap3A_205 : vector<16xf32> to vector<16xf32>
    %swap3A_207 = vector.shape_cast %broadcast_in_dim3A_203 : vector<16xf32> to vector<16xf32>
    tpu.vector_store %arg6[%swap3A_204], %swap3A_207 {strides = array<i32>} : memref<3200xf32, #tpu.memory_space<vmem>>, vector<16xf32>,
    %broadcast_in_dim3A_208 = arith.constant 1.000000e+00 : f32
    %broadcast_in_dim3A_209 = vector.broadcast %broadcast_in_dim3A_208 : f32 to vector<16xf32>
    %swap3A_210 = arith.constant 560 : index
    %swap3A_211 = tpu.vector_load %arg6[%swap3A_210] {strides = array<i32>} : memref<3200xf32, #tpu.memory_space<vmem>>, vector<16xf32>,
    %swap3A_212 = vector.shape_cast %swap3A_211 : vector<16xf32> to vector<16xf32>
    %swap3A_213 = vector.shape_cast %broadcast_in_dim3A_209 : vector<16xf32> to vector<16xf32>
    tpu.vector_store %arg6[%swap3A_210], %swap3A_213 {strides = array<i32>} : memref<3200xf32, #tpu.memory_space<vmem>>, vector<16xf32>,
    %broadcast_in_dim3A_214 = arith.constant 1.000000e+00 : f32
    %broadcast_in_dim3A_215 = vector.broadcast %broadcast_in_dim3A_214 : f32 to vector<16xf32>
    %swap3A_216 = arith.constant 576 : index
    %swap3A_217 = tpu.vector_load %arg6[%swap3A_216] {strides = array<i32>} : memref<3200xf32, #tpu.memory_space<vmem>>, vector<16xf32>,
    %swap3A_218 = vector.shape_cast %swap3A_217 : vector<16xf32> to vector<16xf32>
    %swap3A_219 = vector.shape_cast %broadcast_in_dim3A_215 : vector<16xf32> to vector<16xf32>
    tpu.vector_store %arg6[%swap3A_216], %swap3A_219 {strides = array<i32>} : memref<3200xf32, #tpu.memory_space<vmem>>, vector<16xf32>,
    %broadcast_in_dim3A_220 = arith.constant 1.000000e+00 : f32
    %broadcast_in_dim3A_221 = vector.broadcast %broadcast_in_dim3A_220 : f32 to vector<16xf32>
    %swap3A_222 = arith.constant 592 : index
    %swap3A_223 = tpu.vector_load %arg6[%swap3A_222] {strides = array<i32>} : memref<3200xf32, #tpu.memory_space<vmem>>, vector<16xf32>,
    %swap3A_224 = vector.shape_cast %swap3A_223 : vector<16xf32> to vector<16xf32>
    %swap3A_225 = vector.shape_cast %broadcast_in_dim3A_221 : vector<16xf32> to vector<16xf32>
    tpu.vector_store %arg6[%swap3A_222], %swap3A_225 {strides = array<i32>} : memref<3200xf32, #tpu.memory_space<vmem>>, vector<16xf32>,
    %broadcast_in_dim3A_226 = arith.constant 1.000000e+00 : f32
    %broadcast_in_dim3A_227 = vector.broadcast %broadcast_in_dim3A_226 : f32 to vector<16xf32>
    %swap3A_228 = arith.constant 608 : index
    %swap3A_229 = tpu.vector_load %arg6[%swap3A_228] {strides = array<i32>} : memref<3200xf32, #tpu.memory_space<vmem>>, vector<16xf32>,
    %swap3A_230 = vector.shape_cast %swap3A_229 : vector<16xf32> to vector<16xf32>
    %swap3A_231 = vector.shape_cast %broadcast_in_dim3A_227 : vector<16xf32> to vector<16xf32>
    tpu.vector_store %arg6[%swap3A_228], %swap3A_231 {strides = array<i32>} : memref<3200xf32, #tpu.memory_space<vmem>>, vector<16xf32>,
    %broadcast_in_dim3A_232 = arith.constant 1.000000e+00 : f32
    %broadcast_in_dim3A_233 = vector.broadcast %broadcast_in_dim3A_232 : f32 to vector<16xf32>
    %swap3A_234 = arith.constant 624 : index
    %swap3A_235 = tpu.vector_load %arg6[%swap3A_234] {strides = array<i32>} : memref<3200xf32, #tpu.memory_space<vmem>>, vector<16xf32>,
    %swap3A_236 = vector.shape_cast %swap3A_235 : vector<16xf32> to vector<16xf32>
    %swap3A_237 = vector.shape_cast %broadcast_in_dim3A_233 : vector<16xf32> to vector<16xf32>
    tpu.vector_store %arg6[%swap3A_234], %swap3A_237 {strides = array<i32>} : memref<3200xf32, #tpu.memory_space<vmem>>, vector<16xf32>,
    %broadcast_in_dim3A_238 = arith.constant 1.000000e+00 : f32
    %broadcast_in_dim3A_239 = vector.broadcast %broadcast_in_dim3A_238 : f32 to vector<16xf32>
    %swap3A_240 = arith.constant 640 : index
    %swap3A_241 = tpu.vector_load %arg6[%swap3A_240] {strides = array<i32>} : memref<3200xf32, #tpu.memory_space<vmem>>, vector<16xf32>,
    %swap3A_242 = vector.shape_cast %swap3A_241 : vector<16xf32> to vector<16xf32>
    %swap3A_243 = vector.shape_cast %broadcast_in_dim3A_239 : vector<16xf32> to vector<16xf32>
    tpu.vector_store %arg6[%swap3A_240], %swap3A_243 {strides = array<i32>} : memref<3200xf32, #tpu.memory_space<vmem>>, vector<16xf32>,
    %broadcast_in_dim3A_244 = arith.constant 1.000000e+00 : f32
    %broadcast_in_dim3A_245 = vector.broadcast %broadcast_in_dim3A_244 : f32 to vector<16xf32>
    %swap3A_246 = arith.constant 656 : index
    %swap3A_247 = tpu.vector_load %arg6[%swap3A_246] {strides = array<i32>} : memref<3200xf32, #tpu.memory_space<vmem>>, vector<16xf32>,
    %swap3A_248 = vector.shape_cast %swap3A_247 : vector<16xf32> to vector<16xf32>
    %swap3A_249 = vector.shape_cast %broadcast_in_dim3A_245 : vector<16xf32> to vector<16xf32>
    tpu.vector_store %arg6[%swap3A_246], %swap3A_249 {strides = array<i32>} : memref<3200xf32, #tpu.memory_space<vmem>>, vector<16xf32>,
    %broadcast_in_dim3A_250 = arith.constant 1.000000e+00 : f32
    %broadcast_in_dim3A_251 = vector.broadcast %broadcast_in_dim3A_250 : f32 to vector<16xf32>
    %swap3A_252 = arith.constant 672 : index
    %swap3A_253 = tpu.vector_load %arg6[%swap3A_252] {strides = array<i32>} : memref<3200xf32, #tpu.memory_space<vmem>>, vector<16xf32>,
    %swap3A_254 = vector.shape_cast %swap3A_253 : vector<16xf32> to vector<16xf32>
    %swap3A_255 = vector.shape_cast %broadcast_in_dim3A_251 : vector<16xf32> to vector<16xf32>
    tpu.vector_store %arg6[%swap3A_252], %swap3A_255 {strides = array<i32>} : memref<3200xf32, #tpu.memory_space<vmem>>, vector<16xf32>,
    %broadcast_in_dim3A_256 = arith.constant 1.000000e+00 : f32
    %broadcast_in_dim3A_257 = vector.broadcast %broadcast_in_dim3A_256 : f32 to vector<16xf32>
    %swap3A_258 = arith.constant 688 : index
    %swap3A_259 = tpu.vector_load %arg6[%swap3A_258] {strides = array<i32>} : memref<3200xf32, #tpu.memory_space<vmem>>, vector<16xf32>,
    %swap3A_260 = vector.shape_cast %swap3A_259 : vector<16xf32> to vector<16xf32>
    %swap3A_261 = vector.shape_cast %broadcast_in_dim3A_257 : vector<16xf32> to vector<16xf32>
    tpu.vector_store %arg6[%swap3A_258], %swap3A_261 {strides = array<i32>} : memref<3200xf32, #tpu.memory_space<vmem>>, vector<16xf32>,
    %broadcast_in_dim3A_262 = arith.constant 1.000000e+00 : f32
    %broadcast_in_dim3A_263 = vector.broadcast %broadcast_in_dim3A_262 : f32 to vector<16xf32>
    %swap3A_264 = arith.constant 704 : index
    %swap3A_265 = tpu.vector_load %arg6[%swap3A_264] {strides = array<i32>} : memref<3200xf32, #tpu.memory_space<vmem>>, vector<16xf32>,
    %swap3A_266 = vector.shape_cast %swap3A_265 : vector<16xf32> to vector<16xf32>
    %swap3A_267 = vector.shape_cast %broadcast_in_dim3A_263 : vector<16xf32> to vector<16xf32>
    tpu.vector_store %arg6[%swap3A_264], %swap3A_267 {strides = array<i32>} : memref<3200xf32, #tpu.memory_space<vmem>>, vector<16xf32>,
    %broadcast_in_dim3A_268 = arith.constant 1.000000e+00 : f32
    %broadcast_in_dim3A_269 = vector.broadcast %broadcast_in_dim3A_268 : f32 to vector<16xf32>
    %swap3A_270 = arith.constant 720 : index
    %swap3A_271 = tpu.vector_load %arg6[%swap3A_270] {strides = array<i32>} : memref<3200xf32, #tpu.memory_space<vmem>>, vector<16xf32>,
    %swap3A_272 = vector.shape_cast %swap3A_271 : vector<16xf32> to vector<16xf32>
    %swap3A_273 = vector.shape_cast %broadcast_in_dim3A_269 : vector<16xf32> to vector<16xf32>
    tpu.vector_store %arg6[%swap3A_270], %swap3A_273 {strides = array<i32>} : memref<3200xf32, #tpu.memory_space<vmem>>, vector<16xf32>,
    %broadcast_in_dim3A_274 = arith.constant 1.000000e+00 : f32
    %broadcast_in_dim3A_275 = vector.broadcast %broadcast_in_dim3A_274 : f32 to vector<16xf32>
    %swap3A_276 = arith.constant 736 : index
    %swap3A_277 = tpu.vector_load %arg6[%swap3A_276] {strides = array<i32>} : memref<3200xf32, #tpu.memory_space<vmem>>, vector<16xf32>,
    %swap3A_278 = vector.shape_cast %swap3A_277 : vector<16xf32> to vector<16xf32>
    %swap3A_279 = vector.shape_cast %broadcast_in_dim3A_275 : vector<16xf32> to vector<16xf32>
    tpu.vector_store %arg6[%swap3A_276], %swap3A_279 {strides = array<i32>} : memref<3200xf32, #tpu.memory_space<vmem>>, vector<16xf32>,
    %broadcast_in_dim3A_280 = arith.constant 1.000000e+00 : f32
    %broadcast_in_dim3A_281 = vector.broadcast %broadcast_in_dim3A_280 : f32 to vector<16xf32>
    %swap3A_282 = arith.constant 752 : index
    %swap3A_283 = tpu.vector_load %arg6[%swap3A_282] {strides = array<i32>} : memref<3200xf32, #tpu.memory_space<vmem>>, vector<16xf32>,
    %swap3A_284 = vector.shape_cast %swap3A_283 : vector<16xf32> to vector<16xf32>
    %swap3A_285 = vector.shape_cast %broadcast_in_dim3A_281 : vector<16xf32> to vector<16xf32>
    tpu.vector_store %arg6[%swap3A_282], %swap3A_285 {strides = array<i32>} : memref<3200xf32, #tpu.memory_space<vmem>>, vector<16xf32>,
    %broadcast_in_dim3A_286 = arith.constant 1.000000e+00 : f32
    %broadcast_in_dim3A_287 = vector.broadcast %broadcast_in_dim3A_286 : f32 to vector<16xf32>
    %swap3A_288 = arith.constant 768 : index
    %swap3A_289 = tpu.vector_load %arg6[%swap3A_288] {strides = array<i32>} : memref<3200xf32, #tpu.memory_space<vmem>>, vector<16xf32>,
    %swap3A_290 = vector.shape_cast %swap3A_289 : vector<16xf32> to vector<16xf32>
    %swap3A_291 = vector.shape_cast %broadcast_in_dim3A_287 : vector<16xf32> to vector<16xf32>
    tpu.vector_store %arg6[%swap3A_288], %swap3A_291 {strides = array<i32>} : memref<3200xf32, #tpu.memory_space<vmem>>, vector<16xf32>,
    %broadcast_in_dim3A_292 = arith.constant 1.000000e+00 : f32
    %broadcast_in_dim3A_293 = vector.broadcast %broadcast_in_dim3A_292 : f32 to vector<16xf32>
    %swap3A_294 = arith.constant 784 : index
    %swap3A_295 = tpu.vector_load %arg6[%swap3A_294] {strides = array<i32>} : memref<3200xf32, #tpu.memory_space<vmem>>, vector<16xf32>,
    %swap3A_296 = vector.shape_cast %swap3A_295 : vector<16xf32> to vector<16xf32>
    %swap3A_297 = vector.shape_cast %broadcast_in_dim3A_293 : vector<16xf32> to vector<16xf32>
    tpu.vector_store %arg6[%swap3A_294], %swap3A_297 {strides = array<i32>} : memref<3200xf32, #tpu.memory_space<vmem>>, vector<16xf32>,
    %broadcast_in_dim3A_298 = arith.constant 1.000000e+00 : f32
    %broadcast_in_dim3A_299 = vector.broadcast %broadcast_in_dim3A_298 : f32 to vector<16xf32>
    %swap3A_300 = arith.constant 800 : index
    %swap3A_301 = tpu.vector_load %arg6[%swap3A_300] {strides = array<i32>} : memref<3200xf32, #tpu.memory_space<vmem>>, vector<16xf32>,
    %swap3A_302 = vector.shape_cast %swap3A_301 : vector<16xf32> to vector<16xf32>
    %swap3A_303 = vector.shape_cast %broadcast_in_dim3A_299 : vector<16xf32> to vector<16xf32>
    tpu.vector_store %arg6[%swap3A_300], %swap3A_303 {strides = array<i32>} : memref<3200xf32, #tpu.memory_space<vmem>>, vector<16xf32>,
    %broadcast_in_dim3A_304 = arith.constant 1.000000e+00 : f32
    %broadcast_in_dim3A_305 = vector.broadcast %broadcast_in_dim3A_304 : f32 to vector<16xf32>
    %swap3A_306 = arith.constant 816 : index
    %swap3A_307 = tpu.vector_load %arg6[%swap3A_306] {strides = array<i32>} : memref<3200xf32, #tpu.memory_space<vmem>>, vector<16xf32>,
    %swap3A_308 = vector.shape_cast %swap3A_307 : vector<16xf32> to vector<16xf32>
    %swap3A_309 = vector.shape_cast %broadcast_in_dim3A_305 : vector<16xf32> to vector<16xf32>
    tpu.vector_store %arg6[%swap3A_306], %swap3A_309 {strides = array<i32>} : memref<3200xf32, #tpu.memory_space<vmem>>, vector<16xf32>,
    %broadcast_in_dim3A_310 = arith.constant 1.000000e+00 : f32
    %broadcast_in_dim3A_311 = vector.broadcast %broadcast_in_dim3A_310 : f32 to vector<16xf32>
    %swap3A_312 = arith.constant 832 : index
    %swap3A_313 = tpu.vector_load %arg6[%swap3A_312] {strides = array<i32>} : memref<3200xf32, #tpu.memory_space<vmem>>, vector<16xf32>,
    %swap3A_314 = vector.shape_cast %swap3A_313 : vector<16xf32> to vector<16xf32>
    %swap3A_315 = vector.shape_cast %broadcast_in_dim3A_311 : vector<16xf32> to vector<16xf32>
    tpu.vector_store %arg6[%swap3A_312], %swap3A_315 {strides = array<i32>} : memref<3200xf32, #tpu.memory_space<vmem>>, vector<16xf32>,
    %broadcast_in_dim3A_316 = arith.constant 1.000000e+00 : f32
    %broadcast_in_dim3A_317 = vector.broadcast %broadcast_in_dim3A_316 : f32 to vector<16xf32>
    %swap3A_318 = arith.constant 848 : index
    %swap3A_319 = tpu.vector_load %arg6[%swap3A_318] {strides = array<i32>} : memref<3200xf32, #tpu.memory_space<vmem>>, vector<16xf32>,
    %swap3A_320 = vector.shape_cast %swap3A_319 : vector<16xf32> to vector<16xf32>
    %swap3A_321 = vector.shape_cast %broadcast_in_dim3A_317 : vector<16xf32> to vector<16xf32>
    tpu.vector_store %arg6[%swap3A_318], %swap3A_321 {strides = array<i32>} : memref<3200xf32, #tpu.memory_space<vmem>>, vector<16xf32>,
    %broadcast_in_dim3A_322 = arith.constant 1.000000e+00 : f32
    %broadcast_in_dim3A_323 = vector.broadcast %broadcast_in_dim3A_322 : f32 to vector<16xf32>
    %swap3A_324 = arith.constant 864 : index
    %swap3A_325 = tpu.vector_load %arg6[%swap3A_324] {strides = array<i32>} : memref<3200xf32, #tpu.memory_space<vmem>>, vector<16xf32>,
    %swap3A_326 = vector.shape_cast %swap3A_325 : vector<16xf32> to vector<16xf32>
    %swap3A_327 = vector.shape_cast %broadcast_in_dim3A_323 : vector<16xf32> to vector<16xf32>
    tpu.vector_store %arg6[%swap3A_324], %swap3A_327 {strides = array<i32>} : memref<3200xf32, #tpu.memory_space<vmem>>, vector<16xf32>,
    %broadcast_in_dim3A_328 = arith.constant 1.000000e+00 : f32
    %broadcast_in_dim3A_329 = vector.broadcast %broadcast_in_dim3A_328 : f32 to vector<16xf32>
    %swap3A_330 = arith.constant 880 : index
    %swap3A_331 = tpu.vector_load %arg6[%swap3A_330] {strides = array<i32>} : memref<3200xf32, #tpu.memory_space<vmem>>, vector<16xf32>,
    %swap3A_332 = vector.shape_cast %swap3A_331 : vector<16xf32> to vector<16xf32>
    %swap3A_333 = vector.shape_cast %broadcast_in_dim3A_329 : vector<16xf32> to vector<16xf32>
    tpu.vector_store %arg6[%swap3A_330], %swap3A_333 {strides = array<i32>} : memref<3200xf32, #tpu.memory_space<vmem>>, vector<16xf32>,
    %broadcast_in_dim3A_334 = arith.constant 1.000000e+00 : f32
    %broadcast_in_dim3A_335 = vector.broadcast %broadcast_in_dim3A_334 : f32 to vector<16xf32>
    %swap3A_336 = arith.constant 896 : index
    %swap3A_337 = tpu.vector_load %arg6[%swap3A_336] {strides = array<i32>} : memref<3200xf32, #tpu.memory_space<vmem>>, vector<16xf32>,
    %swap3A_338 = vector.shape_cast %swap3A_337 : vector<16xf32> to vector<16xf32>
    %swap3A_339 = vector.shape_cast %broadcast_in_dim3A_335 : vector<16xf32> to vector<16xf32>
    tpu.vector_store %arg6[%swap3A_336], %swap3A_339 {strides = array<i32>} : memref<3200xf32, #tpu.memory_space<vmem>>, vector<16xf32>,
    %broadcast_in_dim3A_340 = arith.constant 1.000000e+00 : f32
    %broadcast_in_dim3A_341 = vector.broadcast %broadcast_in_dim3A_340 : f32 to vector<16xf32>
    %swap3A_342 = arith.constant 912 : index
    %swap3A_343 = tpu.vector_load %arg6[%swap3A_342] {strides = array<i32>} : memref<3200xf32, #tpu.memory_space<vmem>>, vector<16xf32>,
    %swap3A_344 = vector.shape_cast %swap3A_343 : vector<16xf32> to vector<16xf32>
    %swap3A_345 = vector.shape_cast %broadcast_in_dim3A_341 : vector<16xf32> to vector<16xf32>
    tpu.vector_store %arg6[%swap3A_342], %swap3A_345 {strides = array<i32>} : memref<3200xf32, #tpu.memory_space<vmem>>, vector<16xf32>,
    %broadcast_in_dim3A_346 = arith.constant 1.000000e+00 : f32
    %broadcast_in_dim3A_347 = vector.broadcast %broadcast_in_dim3A_346 : f32 to vector<16xf32>
    %swap3A_348 = arith.constant 928 : index
    %swap3A_349 = tpu.vector_load %arg6[%swap3A_348] {strides = array<i32>} : memref<3200xf32, #tpu.memory_space<vmem>>, vector<16xf32>,
    %swap3A_350 = vector.shape_cast %swap3A_349 : vector<16xf32> to vector<16xf32>
    %swap3A_351 = vector.shape_cast %broadcast_in_dim3A_347 : vector<16xf32> to vector<16xf32>
    tpu.vector_store %arg6[%swap3A_348], %swap3A_351 {strides = array<i32>} : memref<3200xf32, #tpu.memory_space<vmem>>, vector<16xf32>,
    %broadcast_in_dim3A_352 = arith.constant 1.000000e+00 : f32
    %broadcast_in_dim3A_353 = vector.broadcast %broadcast_in_dim3A_352 : f32 to vector<16xf32>
    %swap3A_354 = arith.constant 944 : index
    %swap3A_355 = tpu.vector_load %arg6[%swap3A_354] {strides = array<i32>} : memref<3200xf32, #tpu.memory_space<vmem>>, vector<16xf32>,
    %swap3A_356 = vector.shape_cast %swap3A_355 : vector<16xf32> to vector<16xf32>
    %swap3A_357 = vector.shape_cast %broadcast_in_dim3A_353 : vector<16xf32> to vector<16xf32>
    tpu.vector_store %arg6[%swap3A_354], %swap3A_357 {strides = array<i32>} : memref<3200xf32, #tpu.memory_space<vmem>>, vector<16xf32>,
    %broadcast_in_dim3A_358 = arith.constant 1.000000e+00 : f32
    %broadcast_in_dim3A_359 = vector.broadcast %broadcast_in_dim3A_358 : f32 to vector<16xf32>
    %swap3A_360 = arith.constant 960 : index
    %swap3A_361 = tpu.vector_load %arg6[%swap3A_360] {strides = array<i32>} : memref<3200xf32, #tpu.memory_space<vmem>>, vector<16xf32>,
    %swap3A_362 = vector.shape_cast %swap3A_361 : vector<16xf32> to vector<16xf32>
    %swap3A_363 = vector.shape_cast %broadcast_in_dim3A_359 : vector<16xf32> to vector<16xf32>
    tpu.vector_store %arg6[%swap3A_360], %swap3A_363 {strides = array<i32>} : memref<3200xf32, #tpu.memory_space<vmem>>, vector<16xf32>,
    %broadcast_in_dim3A_364 = arith.constant 1.000000e+00 : f32
    %broadcast_in_dim3A_365 = vector.broadcast %broadcast_in_dim3A_364 : f32 to vector<16xf32>
    %swap3A_366 = arith.constant 976 : index
    %swap3A_367 = tpu.vector_load %arg6[%swap3A_366] {strides = array<i32>} : memref<3200xf32, #tpu.memory_space<vmem>>, vector<16xf32>,
    %swap3A_368 = vector.shape_cast %swap3A_367 : vector<16xf32> to vector<16xf32>
    %swap3A_369 = vector.shape_cast %broadcast_in_dim3A_365 : vector<16xf32> to vector<16xf32>
    tpu.vector_store %arg6[%swap3A_366], %swap3A_369 {strides = array<i32>} : memref<3200xf32, #tpu.memory_space<vmem>>, vector<16xf32>,
    %broadcast_in_dim3A_370 = arith.constant 1.000000e+00 : f32
    %broadcast_in_dim3A_371 = vector.broadcast %broadcast_in_dim3A_370 : f32 to vector<16xf32>
    %swap3A_372 = arith.constant 992 : index
    %swap3A_373 = tpu.vector_load %arg6[%swap3A_372] {strides = array<i32>} : memref<3200xf32, #tpu.memory_space<vmem>>, vector<16xf32>,
    %swap3A_374 = vector.shape_cast %swap3A_373 : vector<16xf32> to vector<16xf32>
    %swap3A_375 = vector.shape_cast %broadcast_in_dim3A_371 : vector<16xf32> to vector<16xf32>
    tpu.vector_store %arg6[%swap3A_372], %swap3A_375 {strides = array<i32>} : memref<3200xf32, #tpu.memory_space<vmem>>, vector<16xf32>,
    %broadcast_in_dim3A_376 = arith.constant 1.000000e+00 : f32
    %broadcast_in_dim3A_377 = vector.broadcast %broadcast_in_dim3A_376 : f32 to vector<16xf32>
    %swap3A_378 = arith.constant 1008 : index
    %swap3A_379 = tpu.vector_load %arg6[%swap3A_378] {strides = array<i32>} : memref<3200xf32, #tpu.memory_space<vmem>>, vector<16xf32>,
    %swap3A_380 = vector.shape_cast %swap3A_379 : vector<16xf32> to vector<16xf32>
    %swap3A_381 = vector.shape_cast %broadcast_in_dim3A_377 : vector<16xf32> to vector<16xf32>
    tpu.vector_store %arg6[%swap3A_378], %swap3A_381 {strides = array<i32>} : memref<3200xf32, #tpu.memory_space<vmem>>, vector<16xf32>,
    %broadcast_in_dim3A_382 = arith.constant 1.000000e+00 : f32
    %broadcast_in_dim3A_383 = vector.broadcast %broadcast_in_dim3A_382 : f32 to vector<16xf32>
    %swap3A_384 = arith.constant 1024 : index
    %swap3A_385 = tpu.vector_load %arg6[%swap3A_384] {strides = array<i32>} : memref<3200xf32, #tpu.memory_space<vmem>>, vector<16xf32>,
    %swap3A_386 = vector.shape_cast %swap3A_385 : vector<16xf32> to vector<16xf32>
    %swap3A_387 = vector.shape_cast %broadcast_in_dim3A_383 : vector<16xf32> to vector<16xf32>
    tpu.vector_store %arg6[%swap3A_384], %swap3A_387 {strides = array<i32>} : memref<3200xf32, #tpu.memory_space<vmem>>, vector<16xf32>,
    %broadcast_in_dim3A_388 = arith.constant 1.000000e+00 : f32
    %broadcast_in_dim3A_389 = vector.broadcast %broadcast_in_dim3A_388 : f32 to vector<16xf32>
    %swap3A_390 = arith.constant 1040 : index
    %swap3A_391 = tpu.vector_load %arg6[%swap3A_390] {strides = array<i32>} : memref<3200xf32, #tpu.memory_space<vmem>>, vector<16xf32>,
    %swap3A_392 = vector.shape_cast %swap3A_391 : vector<16xf32> to vector<16xf32>
    %swap3A_393 = vector.shape_cast %broadcast_in_dim3A_389 : vector<16xf32> to vector<16xf32>
    tpu.vector_store %arg6[%swap3A_390], %swap3A_393 {strides = array<i32>} : memref<3200xf32, #tpu.memory_space<vmem>>, vector<16xf32>,
    %broadcast_in_dim3A_394 = arith.constant 1.000000e+00 : f32
    %broadcast_in_dim3A_395 = vector.broadcast %broadcast_in_dim3A_394 : f32 to vector<16xf32>
    %swap3A_396 = arith.constant 1056 : index
    %swap3A_397 = tpu.vector_load %arg6[%swap3A_396] {strides = array<i32>} : memref<3200xf32, #tpu.memory_space<vmem>>, vector<16xf32>,
    %swap3A_398 = vector.shape_cast %swap3A_397 : vector<16xf32> to vector<16xf32>
    %swap3A_399 = vector.shape_cast %broadcast_in_dim3A_395 : vector<16xf32> to vector<16xf32>
    tpu.vector_store %arg6[%swap3A_396], %swap3A_399 {strides = array<i32>} : memref<3200xf32, #tpu.memory_space<vmem>>, vector<16xf32>,
    %broadcast_in_dim3A_400 = arith.constant 1.000000e+00 : f32
    %broadcast_in_dim3A_401 = vector.broadcast %broadcast_in_dim3A_400 : f32 to vector<16xf32>
    %swap3A_402 = arith.constant 1072 : index
    %swap3A_403 = tpu.vector_load %arg6[%swap3A_402] {strides = array<i32>} : memref<3200xf32, #tpu.memory_space<vmem>>, vector<16xf32>,
    %swap3A_404 = vector.shape_cast %swap3A_403 : vector<16xf32> to vector<16xf32>
    %swap3A_405 = vector.shape_cast %broadcast_in_dim3A_401 : vector<16xf32> to vector<16xf32>
    tpu.vector_store %arg6[%swap3A_402], %swap3A_405 {strides = array<i32>} : memref<3200xf32, #tpu.memory_space<vmem>>, vector<16xf32>,
    %broadcast_in_dim3A_406 = arith.constant 1.000000e+00 : f32
    %broadcast_in_dim3A_407 = vector.broadcast %broadcast_in_dim3A_406 : f32 to vector<16xf32>
    %swap3A_408 = arith.constant 1088 : index
    %swap3A_409 = tpu.vector_load %arg6[%swap3A_408] {strides = array<i32>} : memref<3200xf32, #tpu.memory_space<vmem>>, vector<16xf32>,
    %swap3A_410 = vector.shape_cast %swap3A_409 : vector<16xf32> to vector<16xf32>
    %swap3A_411 = vector.shape_cast %broadcast_in_dim3A_407 : vector<16xf32> to vector<16xf32>
    tpu.vector_store %arg6[%swap3A_408], %swap3A_411 {strides = array<i32>} : memref<3200xf32, #tpu.memory_space<vmem>>, vector<16xf32>,
    %broadcast_in_dim3A_412 = arith.constant 1.000000e+00 : f32
    %broadcast_in_dim3A_413 = vector.broadcast %broadcast_in_dim3A_412 : f32 to vector<16xf32>
    %swap3A_414 = arith.constant 1104 : index
    %swap3A_415 = tpu.vector_load %arg6[%swap3A_414] {strides = array<i32>} : memref<3200xf32, #tpu.memory_space<vmem>>, vector<16xf32>,
    %swap3A_416 = vector.shape_cast %swap3A_415 : vector<16xf32> to vector<16xf32>
    %swap3A_417 = vector.shape_cast %broadcast_in_dim3A_413 : vector<16xf32> to vector<16xf32>
    tpu.vector_store %arg6[%swap3A_414], %swap3A_417 {strides = array<i32>} : memref<3200xf32, #tpu.memory_space<vmem>>, vector<16xf32>,
    %broadcast_in_dim3A_418 = arith.constant 1.000000e+00 : f32
    %broadcast_in_dim3A_419 = vector.broadcast %broadcast_in_dim3A_418 : f32 to vector<16xf32>
    %swap3A_420 = arith.constant 1120 : index
    %swap3A_421 = tpu.vector_load %arg6[%swap3A_420] {strides = array<i32>} : memref<3200xf32, #tpu.memory_space<vmem>>, vector<16xf32>,
    %swap3A_422 = vector.shape_cast %swap3A_421 : vector<16xf32> to vector<16xf32>
    %swap3A_423 = vector.shape_cast %broadcast_in_dim3A_419 : vector<16xf32> to vector<16xf32>
    tpu.vector_store %arg6[%swap3A_420], %swap3A_423 {strides = array<i32>} : memref<3200xf32, #tpu.memory_space<vmem>>, vector<16xf32>,
    %broadcast_in_dim3A_424 = arith.constant 1.000000e+00 : f32
    %broadcast_in_dim3A_425 = vector.broadcast %broadcast_in_dim3A_424 : f32 to vector<16xf32>
    %swap3A_426 = arith.constant 1136 : index
    %swap3A_427 = tpu.vector_load %arg6[%swap3A_426] {strides = array<i32>} : memref<3200xf32, #tpu.memory_space<vmem>>, vector<16xf32>,
    %swap3A_428 = vector.shape_cast %swap3A_427 : vector<16xf32> to vector<16xf32>
    %swap3A_429 = vector.shape_cast %broadcast_in_dim3A_425 : vector<16xf32> to vector<16xf32>
    tpu.vector_store %arg6[%swap3A_426], %swap3A_429 {strides = array<i32>} : memref<3200xf32, #tpu.memory_space<vmem>>, vector<16xf32>,
    %broadcast_in_dim3A_430 = arith.constant 1.000000e+00 : f32
    %broadcast_in_dim3A_431 = vector.broadcast %broadcast_in_dim3A_430 : f32 to vector<16xf32>
    %swap3A_432 = arith.constant 1152 : index
    %swap3A_433 = tpu.vector_load %arg6[%swap3A_432] {strides = array<i32>} : memref<3200xf32, #tpu.memory_space<vmem>>, vector<16xf32>,
    %swap3A_434 = vector.shape_cast %swap3A_433 : vector<16xf32> to vector<16xf32>
    %swap3A_435 = vector.shape_cast %broadcast_in_dim3A_431 : vector<16xf32> to vector<16xf32>
    tpu.vector_store %arg6[%swap3A_432], %swap3A_435 {strides = array<i32>} : memref<3200xf32, #tpu.memory_space<vmem>>, vector<16xf32>,
    %broadcast_in_dim3A_436 = arith.constant 1.000000e+00 : f32
    %broadcast_in_dim3A_437 = vector.broadcast %broadcast_in_dim3A_436 : f32 to vector<16xf32>
    %swap3A_438 = arith.constant 1168 : index
    %swap3A_439 = tpu.vector_load %arg6[%swap3A_438] {strides = array<i32>} : memref<3200xf32, #tpu.memory_space<vmem>>, vector<16xf32>,
    %swap3A_440 = vector.shape_cast %swap3A_439 : vector<16xf32> to vector<16xf32>
    %swap3A_441 = vector.shape_cast %broadcast_in_dim3A_437 : vector<16xf32> to vector<16xf32>
    tpu.vector_store %arg6[%swap3A_438], %swap3A_441 {strides = array<i32>} : memref<3200xf32, #tpu.memory_space<vmem>>, vector<16xf32>,
    %broadcast_in_dim3A_442 = arith.constant 1.000000e+00 : f32
    %broadcast_in_dim3A_443 = vector.broadcast %broadcast_in_dim3A_442 : f32 to vector<16xf32>
    %swap3A_444 = arith.constant 1184 : index
    %swap3A_445 = tpu.vector_load %arg6[%swap3A_444] {strides = array<i32>} : memref<3200xf32, #tpu.memory_space<vmem>>, vector<16xf32>,
    %swap3A_446 = vector.shape_cast %swap3A_445 : vector<16xf32> to vector<16xf32>
    %swap3A_447 = vector.shape_cast %broadcast_in_dim3A_443 : vector<16xf32> to vector<16xf32>
    tpu.vector_store %arg6[%swap3A_444], %swap3A_447 {strides = array<i32>} : memref<3200xf32, #tpu.memory_space<vmem>>, vector<16xf32>,
    %broadcast_in_dim3A_448 = arith.constant 1.000000e+00 : f32
    %broadcast_in_dim3A_449 = vector.broadcast %broadcast_in_dim3A_448 : f32 to vector<16xf32>
    %swap3A_450 = arith.constant 1200 : index
    %swap3A_451 = tpu.vector_load %arg6[%swap3A_450] {strides = array<i32>} : memref<3200xf32, #tpu.memory_space<vmem>>, vector<16xf32>,
    %swap3A_452 = vector.shape_cast %swap3A_451 : vector<16xf32> to vector<16xf32>
    %swap3A_453 = vector.shape_cast %broadcast_in_dim3A_449 : vector<16xf32> to vector<16xf32>
    tpu.vector_store %arg6[%swap3A_450], %swap3A_453 {strides = array<i32>} : memref<3200xf32, #tpu.memory_space<vmem>>, vector<16xf32>,
    %broadcast_in_dim3A_454 = arith.constant 1.000000e+00 : f32
    %broadcast_in_dim3A_455 = vector.broadcast %broadcast_in_dim3A_454 : f32 to vector<16xf32>
    %swap3A_456 = arith.constant 1216 : index
    %swap3A_457 = tpu.vector_load %arg6[%swap3A_456] {strides = array<i32>} : memref<3200xf32, #tpu.memory_space<vmem>>, vector<16xf32>,
    %swap3A_458 = vector.shape_cast %swap3A_457 : vector<16xf32> to vector<16xf32>
    %swap3A_459 = vector.shape_cast %broadcast_in_dim3A_455 : vector<16xf32> to vector<16xf32>
    tpu.vector_store %arg6[%swap3A_456], %swap3A_459 {strides = array<i32>} : memref<3200xf32, #tpu.memory_space<vmem>>, vector<16xf32>,
    %broadcast_in_dim3A_460 = arith.constant 1.000000e+00 : f32
    %broadcast_in_dim3A_461 = vector.broadcast %broadcast_in_dim3A_460 : f32 to vector<16xf32>
    %swap3A_462 = arith.constant 1232 : index
    %swap3A_463 = tpu.vector_load %arg6[%swap3A_462] {strides = array<i32>} : memref<3200xf32, #tpu.memory_space<vmem>>, vector<16xf32>,
    %swap3A_464 = vector.shape_cast %swap3A_463 : vector<16xf32> to vector<16xf32>
    %swap3A_465 = vector.shape_cast %broadcast_in_dim3A_461 : vector<16xf32> to vector<16xf32>
    tpu.vector_store %arg6[%swap3A_462], %swap3A_465 {strides = array<i32>} : memref<3200xf32, #tpu.memory_space<vmem>>, vector<16xf32>,
    %broadcast_in_dim3A_466 = arith.constant 1.000000e+00 : f32
    %broadcast_in_dim3A_467 = vector.broadcast %broadcast_in_dim3A_466 : f32 to vector<16xf32>
    %swap3A_468 = arith.constant 1248 : index
    %swap3A_469 = tpu.vector_load %arg6[%swap3A_468] {strides = array<i32>} : memref<3200xf32, #tpu.memory_space<vmem>>, vector<16xf32>,
    %swap3A_470 = vector.shape_cast %swap3A_469 : vector<16xf32> to vector<16xf32>
    %swap3A_471 = vector.shape_cast %broadcast_in_dim3A_467 : vector<16xf32> to vector<16xf32>
    tpu.vector_store %arg6[%swap3A_468], %swap3A_471 {strides = array<i32>} : memref<3200xf32, #tpu.memory_space<vmem>>, vector<16xf32>,
    %broadcast_in_dim3A_472 = arith.constant 1.000000e+00 : f32
    %broadcast_in_dim3A_473 = vector.broadcast %broadcast_in_dim3A_472 : f32 to vector<16xf32>
    %swap3A_474 = arith.constant 1264 : index
    %swap3A_475 = tpu.vector_load %arg6[%swap3A_474] {strides = array<i32>} : memref<3200xf32, #tpu.memory_space<vmem>>, vector<16xf32>,
    %swap3A_476 = vector.shape_cast %swap3A_475 : vector<16xf32> to vector<16xf32>
    %swap3A_477 = vector.shape_cast %broadcast_in_dim3A_473 : vector<16xf32> to vector<16xf32>
    tpu.vector_store %arg6[%swap3A_474], %swap3A_477 {strides = array<i32>} : memref<3200xf32, #tpu.memory_space<vmem>>, vector<16xf32>,
    %broadcast_in_dim3A_478 = arith.constant 1.000000e+00 : f32
    %broadcast_in_dim3A_479 = vector.broadcast %broadcast_in_dim3A_478 : f32 to vector<16xf32>
    %swap3A_480 = arith.constant 1280 : index
    %swap3A_481 = tpu.vector_load %arg6[%swap3A_480] {strides = array<i32>} : memref<3200xf32, #tpu.memory_space<vmem>>, vector<16xf32>,
    %swap3A_482 = vector.shape_cast %swap3A_481 : vector<16xf32> to vector<16xf32>
    %swap3A_483 = vector.shape_cast %broadcast_in_dim3A_479 : vector<16xf32> to vector<16xf32>
    tpu.vector_store %arg6[%swap3A_480], %swap3A_483 {strides = array<i32>} : memref<3200xf32, #tpu.memory_space<vmem>>, vector<16xf32>,
    %broadcast_in_dim3A_484 = arith.constant 1.000000e+00 : f32
    %broadcast_in_dim3A_485 = vector.broadcast %broadcast_in_dim3A_484 : f32 to vector<16xf32>
    %swap3A_486 = arith.constant 1296 : index
    %swap3A_487 = tpu.vector_load %arg6[%swap3A_486] {strides = array<i32>} : memref<3200xf32, #tpu.memory_space<vmem>>, vector<16xf32>,
    %swap3A_488 = vector.shape_cast %swap3A_487 : vector<16xf32> to vector<16xf32>
    %swap3A_489 = vector.shape_cast %broadcast_in_dim3A_485 : vector<16xf32> to vector<16xf32>
    tpu.vector_store %arg6[%swap3A_486], %swap3A_489 {strides = array<i32>} : memref<3200xf32, #tpu.memory_space<vmem>>, vector<16xf32>,
    %broadcast_in_dim3A_490 = arith.constant 1.000000e+00 : f32
    %broadcast_in_dim3A_491 = vector.broadcast %broadcast_in_dim3A_490 : f32 to vector<16xf32>
    %swap3A_492 = arith.constant 1312 : index
    %swap3A_493 = tpu.vector_load %arg6[%swap3A_492] {strides = array<i32>} : memref<3200xf32, #tpu.memory_space<vmem>>, vector<16xf32>,
    %swap3A_494 = vector.shape_cast %swap3A_493 : vector<16xf32> to vector<16xf32>
    %swap3A_495 = vector.shape_cast %broadcast_in_dim3A_491 : vector<16xf32> to vector<16xf32>
    tpu.vector_store %arg6[%swap3A_492], %swap3A_495 {strides = array<i32>} : memref<3200xf32, #tpu.memory_space<vmem>>, vector<16xf32>,
    %broadcast_in_dim3A_496 = arith.constant 1.000000e+00 : f32
    %broadcast_in_dim3A_497 = vector.broadcast %broadcast_in_dim3A_496 : f32 to vector<16xf32>
    %swap3A_498 = arith.constant 1328 : index
    %swap3A_499 = tpu.vector_load %arg6[%swap3A_498] {strides = array<i32>} : memref<3200xf32, #tpu.memory_space<vmem>>, vector<16xf32>,
    %swap3A_500 = vector.shape_cast %swap3A_499 : vector<16xf32> to vector<16xf32>
    %swap3A_501 = vector.shape_cast %broadcast_in_dim3A_497 : vector<16xf32> to vector<16xf32>
    tpu.vector_store %arg6[%swap3A_498], %swap3A_501 {strides = array<i32>} : memref<3200xf32, #tpu.memory_space<vmem>>, vector<16xf32>,
    %broadcast_in_dim3A_502 = arith.constant 1.000000e+00 : f32
    %broadcast_in_dim3A_503 = vector.broadcast %broadcast_in_dim3A_502 : f32 to vector<16xf32>
    %swap3A_504 = arith.constant 1344 : index
    %swap3A_505 = tpu.vector_load %arg6[%swap3A_504] {strides = array<i32>} : memref<3200xf32, #tpu.memory_space<vmem>>, vector<16xf32>,
    %swap3A_506 = vector.shape_cast %swap3A_505 : vector<16xf32> to vector<16xf32>
    %swap3A_507 = vector.shape_cast %broadcast_in_dim3A_503 : vector<16xf32> to vector<16xf32>
    tpu.vector_store %arg6[%swap3A_504], %swap3A_507 {strides = array<i32>} : memref<3200xf32, #tpu.memory_space<vmem>>, vector<16xf32>,
    %broadcast_in_dim3A_508 = arith.constant 1.000000e+00 : f32
    %broadcast_in_dim3A_509 = vector.broadcast %broadcast_in_dim3A_508 : f32 to vector<16xf32>
    %swap3A_510 = arith.constant 1360 : index
    %swap3A_511 = tpu.vector_load %arg6[%swap3A_510] {strides = array<i32>} : memref<3200xf32, #tpu.memory_space<vmem>>, vector<16xf32>,
    %swap3A_512 = vector.shape_cast %swap3A_511 : vector<16xf32> to vector<16xf32>
    %swap3A_513 = vector.shape_cast %broadcast_in_dim3A_509 : vector<16xf32> to vector<16xf32>
    tpu.vector_store %arg6[%swap3A_510], %swap3A_513 {strides = array<i32>} : memref<3200xf32, #tpu.memory_space<vmem>>, vector<16xf32>,
    %broadcast_in_dim3A_514 = arith.constant 1.000000e+00 : f32
    %broadcast_in_dim3A_515 = vector.broadcast %broadcast_in_dim3A_514 : f32 to vector<16xf32>
    %swap3A_516 = arith.constant 1376 : index
    %swap3A_517 = tpu.vector_load %arg6[%swap3A_516] {strides = array<i32>} : memref<3200xf32, #tpu.memory_space<vmem>>, vector<16xf32>,
    %swap3A_518 = vector.shape_cast %swap3A_517 : vector<16xf32> to vector<16xf32>
    %swap3A_519 = vector.shape_cast %broadcast_in_dim3A_515 : vector<16xf32> to vector<16xf32>
    tpu.vector_store %arg6[%swap3A_516], %swap3A_519 {strides = array<i32>} : memref<3200xf32, #tpu.memory_space<vmem>>, vector<16xf32>,
    %broadcast_in_dim3A_520 = arith.constant 1.000000e+00 : f32
    %broadcast_in_dim3A_521 = vector.broadcast %broadcast_in_dim3A_520 : f32 to vector<16xf32>
    %swap3A_522 = arith.constant 1392 : index
    %swap3A_523 = tpu.vector_load %arg6[%swap3A_522] {strides = array<i32>} : memref<3200xf32, #tpu.memory_space<vmem>>, vector<16xf32>,
    %swap3A_524 = vector.shape_cast %swap3A_523 : vector<16xf32> to vector<16xf32>
    %swap3A_525 = vector.shape_cast %broadcast_in_dim3A_521 : vector<16xf32> to vector<16xf32>
    tpu.vector_store %arg6[%swap3A_522], %swap3A_525 {strides = array<i32>} : memref<3200xf32, #tpu.memory_space<vmem>>, vector<16xf32>,
    %broadcast_in_dim3A_526 = arith.constant 1.000000e+00 : f32
    %broadcast_in_dim3A_527 = vector.broadcast %broadcast_in_dim3A_526 : f32 to vector<16xf32>
    %swap3A_528 = arith.constant 1408 : index
    %swap3A_529 = tpu.vector_load %arg6[%swap3A_528] {strides = array<i32>} : memref<3200xf32, #tpu.memory_space<vmem>>, vector<16xf32>,
    %swap3A_530 = vector.shape_cast %swap3A_529 : vector<16xf32> to vector<16xf32>
    %swap3A_531 = vector.shape_cast %broadcast_in_dim3A_527 : vector<16xf32> to vector<16xf32>
    tpu.vector_store %arg6[%swap3A_528], %swap3A_531 {strides = array<i32>} : memref<3200xf32, #tpu.memory_space<vmem>>, vector<16xf32>,
    %broadcast_in_dim3A_532 = arith.constant 1.000000e+00 : f32
    %broadcast_in_dim3A_533 = vector.broadcast %broadcast_in_dim3A_532 : f32 to vector<16xf32>
    %swap3A_534 = arith.constant 1424 : index
    %swap3A_535 = tpu.vector_load %arg6[%swap3A_534] {strides = array<i32>} : memref<3200xf32, #tpu.memory_space<vmem>>, vector<16xf32>,
    %swap3A_536 = vector.shape_cast %swap3A_535 : vector<16xf32> to vector<16xf32>
    %swap3A_537 = vector.shape_cast %broadcast_in_dim3A_533 : vector<16xf32> to vector<16xf32>
    tpu.vector_store %arg6[%swap3A_534], %swap3A_537 {strides = array<i32>} : memref<3200xf32, #tpu.memory_space<vmem>>, vector<16xf32>,
    %broadcast_in_dim3A_538 = arith.constant 1.000000e+00 : f32
    %broadcast_in_dim3A_539 = vector.broadcast %broadcast_in_dim3A_538 : f32 to vector<16xf32>
    %swap3A_540 = arith.constant 1440 : index
    %swap3A_541 = tpu.vector_load %arg6[%swap3A_540] {strides = array<i32>} : memref<3200xf32, #tpu.memory_space<vmem>>, vector<16xf32>,
    %swap3A_542 = vector.shape_cast %swap3A_541 : vector<16xf32> to vector<16xf32>
    %swap3A_543 = vector.shape_cast %broadcast_in_dim3A_539 : vector<16xf32> to vector<16xf32>
    tpu.vector_store %arg6[%swap3A_540], %swap3A_543 {strides = array<i32>} : memref<3200xf32, #tpu.memory_space<vmem>>, vector<16xf32>,
    %broadcast_in_dim3A_544 = arith.constant 1.000000e+00 : f32
    %broadcast_in_dim3A_545 = vector.broadcast %broadcast_in_dim3A_544 : f32 to vector<16xf32>
    %swap3A_546 = arith.constant 1456 : index
    %swap3A_547 = tpu.vector_load %arg6[%swap3A_546] {strides = array<i32>} : memref<3200xf32, #tpu.memory_space<vmem>>, vector<16xf32>,
    %swap3A_548 = vector.shape_cast %swap3A_547 : vector<16xf32> to vector<16xf32>
    %swap3A_549 = vector.shape_cast %broadcast_in_dim3A_545 : vector<16xf32> to vector<16xf32>
    tpu.vector_store %arg6[%swap3A_546], %swap3A_549 {strides = array<i32>} : memref<3200xf32, #tpu.memory_space<vmem>>, vector<16xf32>,
    %broadcast_in_dim3A_550 = arith.constant 1.000000e+00 : f32
    %broadcast_in_dim3A_551 = vector.broadcast %broadcast_in_dim3A_550 : f32 to vector<16xf32>
    %swap3A_552 = arith.constant 1472 : index
    %swap3A_553 = tpu.vector_load %arg6[%swap3A_552] {strides = array<i32>} : memref<3200xf32, #tpu.memory_space<vmem>>, vector<16xf32>,
    %swap3A_554 = vector.shape_cast %swap3A_553 : vector<16xf32> to vector<16xf32>
    %swap3A_555 = vector.shape_cast %broadcast_in_dim3A_551 : vector<16xf32> to vector<16xf32>
    tpu.vector_store %arg6[%swap3A_552], %swap3A_555 {strides = array<i32>} : memref<3200xf32, #tpu.memory_space<vmem>>, vector<16xf32>,
    %broadcast_in_dim3A_556 = arith.constant 1.000000e+00 : f32
    %broadcast_in_dim3A_557 = vector.broadcast %broadcast_in_dim3A_556 : f32 to vector<16xf32>
    %swap3A_558 = arith.constant 1488 : index
    %swap3A_559 = tpu.vector_load %arg6[%swap3A_558] {strides = array<i32>} : memref<3200xf32, #tpu.memory_space<vmem>>, vector<16xf32>,
    %swap3A_560 = vector.shape_cast %swap3A_559 : vector<16xf32> to vector<16xf32>
    %swap3A_561 = vector.shape_cast %broadcast_in_dim3A_557 : vector<16xf32> to vector<16xf32>
    tpu.vector_store %arg6[%swap3A_558], %swap3A_561 {strides = array<i32>} : memref<3200xf32, #tpu.memory_space<vmem>>, vector<16xf32>,
    %broadcast_in_dim3A_562 = arith.constant 1.000000e+00 : f32
    %broadcast_in_dim3A_563 = vector.broadcast %broadcast_in_dim3A_562 : f32 to vector<16xf32>
    %swap3A_564 = arith.constant 1504 : index
    %swap3A_565 = tpu.vector_load %arg6[%swap3A_564] {strides = array<i32>} : memref<3200xf32, #tpu.memory_space<vmem>>, vector<16xf32>,
    %swap3A_566 = vector.shape_cast %swap3A_565 : vector<16xf32> to vector<16xf32>
    %swap3A_567 = vector.shape_cast %broadcast_in_dim3A_563 : vector<16xf32> to vector<16xf32>
    tpu.vector_store %arg6[%swap3A_564], %swap3A_567 {strides = array<i32>} : memref<3200xf32, #tpu.memory_space<vmem>>, vector<16xf32>,
    %broadcast_in_dim3A_568 = arith.constant 1.000000e+00 : f32
    %broadcast_in_dim3A_569 = vector.broadcast %broadcast_in_dim3A_568 : f32 to vector<16xf32>
    %swap3A_570 = arith.constant 1520 : index
    %swap3A_571 = tpu.vector_load %arg6[%swap3A_570] {strides = array<i32>} : memref<3200xf32, #tpu.memory_space<vmem>>, vector<16xf32>,
    %swap3A_572 = vector.shape_cast %swap3A_571 : vector<16xf32> to vector<16xf32>
    %swap3A_573 = vector.shape_cast %broadcast_in_dim3A_569 : vector<16xf32> to vector<16xf32>
    tpu.vector_store %arg6[%swap3A_570], %swap3A_573 {strides = array<i32>} : memref<3200xf32, #tpu.memory_space<vmem>>, vector<16xf32>,
    %broadcast_in_dim3A_574 = arith.constant 1.000000e+00 : f32
    %broadcast_in_dim3A_575 = vector.broadcast %broadcast_in_dim3A_574 : f32 to vector<16xf32>
    %swap3A_576 = arith.constant 1536 : index
    %swap3A_577 = tpu.vector_load %arg6[%swap3A_576] {strides = array<i32>} : memref<3200xf32, #tpu.memory_space<vmem>>, vector<16xf32>,
    %swap3A_578 = vector.shape_cast %swap3A_577 : vector<16xf32> to vector<16xf32>
    %swap3A_579 = vector.shape_cast %broadcast_in_dim3A_575 : vector<16xf32> to vector<16xf32>
    tpu.vector_store %arg6[%swap3A_576], %swap3A_579 {strides = array<i32>} : memref<3200xf32, #tpu.memory_space<vmem>>, vector<16xf32>,
    %broadcast_in_dim3A_580 = arith.constant 1.000000e+00 : f32
    %broadcast_in_dim3A_581 = vector.broadcast %broadcast_in_dim3A_580 : f32 to vector<16xf32>
    %swap3A_582 = arith.constant 1552 : index
    %swap3A_583 = tpu.vector_load %arg6[%swap3A_582] {strides = array<i32>} : memref<3200xf32, #tpu.memory_space<vmem>>, vector<16xf32>,
    %swap3A_584 = vector.shape_cast %swap3A_583 : vector<16xf32> to vector<16xf32>
    %swap3A_585 = vector.shape_cast %broadcast_in_dim3A_581 : vector<16xf32> to vector<16xf32>
    tpu.vector_store %arg6[%swap3A_582], %swap3A_585 {strides = array<i32>} : memref<3200xf32, #tpu.memory_space<vmem>>, vector<16xf32>,
    %broadcast_in_dim3A_586 = arith.constant 1.000000e+00 : f32
    %broadcast_in_dim3A_587 = vector.broadcast %broadcast_in_dim3A_586 : f32 to vector<16xf32>
    %swap3A_588 = arith.constant 1568 : index
    %swap3A_589 = tpu.vector_load %arg6[%swap3A_588] {strides = array<i32>} : memref<3200xf32, #tpu.memory_space<vmem>>, vector<16xf32>,
    %swap3A_590 = vector.shape_cast %swap3A_589 : vector<16xf32> to vector<16xf32>
    %swap3A_591 = vector.shape_cast %broadcast_in_dim3A_587 : vector<16xf32> to vector<16xf32>
    tpu.vector_store %arg6[%swap3A_588], %swap3A_591 {strides = array<i32>} : memref<3200xf32, #tpu.memory_space<vmem>>, vector<16xf32>,
    %broadcast_in_dim3A_592 = arith.constant 1.000000e+00 : f32
    %broadcast_in_dim3A_593 = vector.broadcast %broadcast_in_dim3A_592 : f32 to vector<16xf32>
    %swap3A_594 = arith.constant 1584 : index
    %swap3A_595 = tpu.vector_load %arg6[%swap3A_594] {strides = array<i32>} : memref<3200xf32, #tpu.memory_space<vmem>>, vector<16xf32>,
    %swap3A_596 = vector.shape_cast %swap3A_595 : vector<16xf32> to vector<16xf32>
    %swap3A_597 = vector.shape_cast %broadcast_in_dim3A_593 : vector<16xf32> to vector<16xf32>
    tpu.vector_store %arg6[%swap3A_594], %swap3A_597 {strides = array<i32>} : memref<3200xf32, #tpu.memory_space<vmem>>, vector<16xf32>,
    %broadcast_in_dim3A_598 = arith.constant 1.000000e+00 : f32
    %broadcast_in_dim3A_599 = vector.broadcast %broadcast_in_dim3A_598 : f32 to vector<16xf32>
    %swap3A_600 = arith.constant 1600 : index
    %swap3A_601 = tpu.vector_load %arg6[%swap3A_600] {strides = array<i32>} : memref<3200xf32, #tpu.memory_space<vmem>>, vector<16xf32>,
    %swap3A_602 = vector.shape_cast %swap3A_601 : vector<16xf32> to vector<16xf32>
    %swap3A_603 = vector.shape_cast %broadcast_in_dim3A_599 : vector<16xf32> to vector<16xf32>
    tpu.vector_store %arg6[%swap3A_600], %swap3A_603 {strides = array<i32>} : memref<3200xf32, #tpu.memory_space<vmem>>, vector<16xf32>,
    %broadcast_in_dim3A_604 = arith.constant 1.000000e+00 : f32
    %broadcast_in_dim3A_605 = vector.broadcast %broadcast_in_dim3A_604 : f32 to vector<16xf32>
    %swap3A_606 = arith.constant 1616 : index
    %swap3A_607 = tpu.vector_load %arg6[%swap3A_606] {strides = array<i32>} : memref<3200xf32, #tpu.memory_space<vmem>>, vector<16xf32>,
    %swap3A_608 = vector.shape_cast %swap3A_607 : vector<16xf32> to vector<16xf32>
    %swap3A_609 = vector.shape_cast %broadcast_in_dim3A_605 : vector<16xf32> to vector<16xf32>
    tpu.vector_store %arg6[%swap3A_606], %swap3A_609 {strides = array<i32>} : memref<3200xf32, #tpu.memory_space<vmem>>, vector<16xf32>,
    %broadcast_in_dim3A_610 = arith.constant 1.000000e+00 : f32
    %broadcast_in_dim3A_611 = vector.broadcast %broadcast_in_dim3A_610 : f32 to vector<16xf32>
    %swap3A_612 = arith.constant 1632 : index
    %swap3A_613 = tpu.vector_load %arg6[%swap3A_612] {strides = array<i32>} : memref<3200xf32, #tpu.memory_space<vmem>>, vector<16xf32>,
    %swap3A_614 = vector.shape_cast %swap3A_613 : vector<16xf32> to vector<16xf32>
    %swap3A_615 = vector.shape_cast %broadcast_in_dim3A_611 : vector<16xf32> to vector<16xf32>
    tpu.vector_store %arg6[%swap3A_612], %swap3A_615 {strides = array<i32>} : memref<3200xf32, #tpu.memory_space<vmem>>, vector<16xf32>,
    %broadcast_in_dim3A_616 = arith.constant 1.000000e+00 : f32
    %broadcast_in_dim3A_617 = vector.broadcast %broadcast_in_dim3A_616 : f32 to vector<16xf32>
    %swap3A_618 = arith.constant 1648 : index
    %swap3A_619 = tpu.vector_load %arg6[%swap3A_618] {strides = array<i32>} : memref<3200xf32, #tpu.memory_space<vmem>>, vector<16xf32>,
    %swap3A_620 = vector.shape_cast %swap3A_619 : vector<16xf32> to vector<16xf32>
    %swap3A_621 = vector.shape_cast %broadcast_in_dim3A_617 : vector<16xf32> to vector<16xf32>
    tpu.vector_store %arg6[%swap3A_618], %swap3A_621 {strides = array<i32>} : memref<3200xf32, #tpu.memory_space<vmem>>, vector<16xf32>,
    %broadcast_in_dim3A_622 = arith.constant 1.000000e+00 : f32
    %broadcast_in_dim3A_623 = vector.broadcast %broadcast_in_dim3A_622 : f32 to vector<16xf32>
    %swap3A_624 = arith.constant 1664 : index
    %swap3A_625 = tpu.vector_load %arg6[%swap3A_624] {strides = array<i32>} : memref<3200xf32, #tpu.memory_space<vmem>>, vector<16xf32>,
    %swap3A_626 = vector.shape_cast %swap3A_625 : vector<16xf32> to vector<16xf32>
    %swap3A_627 = vector.shape_cast %broadcast_in_dim3A_623 : vector<16xf32> to vector<16xf32>
    tpu.vector_store %arg6[%swap3A_624], %swap3A_627 {strides = array<i32>} : memref<3200xf32, #tpu.memory_space<vmem>>, vector<16xf32>,
    %broadcast_in_dim3A_628 = arith.constant 1.000000e+00 : f32
    %broadcast_in_dim3A_629 = vector.broadcast %broadcast_in_dim3A_628 : f32 to vector<16xf32>
    %swap3A_630 = arith.constant 1680 : index
    %swap3A_631 = tpu.vector_load %arg6[%swap3A_630] {strides = array<i32>} : memref<3200xf32, #tpu.memory_space<vmem>>, vector<16xf32>,
    %swap3A_632 = vector.shape_cast %swap3A_631 : vector<16xf32> to vector<16xf32>
    %swap3A_633 = vector.shape_cast %broadcast_in_dim3A_629 : vector<16xf32> to vector<16xf32>
    tpu.vector_store %arg6[%swap3A_630], %swap3A_633 {strides = array<i32>} : memref<3200xf32, #tpu.memory_space<vmem>>, vector<16xf32>,
    %broadcast_in_dim3A_634 = arith.constant 1.000000e+00 : f32
    %broadcast_in_dim3A_635 = vector.broadcast %broadcast_in_dim3A_634 : f32 to vector<16xf32>
    %swap3A_636 = arith.constant 1696 : index
    %swap3A_637 = tpu.vector_load %arg6[%swap3A_636] {strides = array<i32>} : memref<3200xf32, #tpu.memory_space<vmem>>, vector<16xf32>,
    %swap3A_638 = vector.shape_cast %swap3A_637 : vector<16xf32> to vector<16xf32>
    %swap3A_639 = vector.shape_cast %broadcast_in_dim3A_635 : vector<16xf32> to vector<16xf32>
    tpu.vector_store %arg6[%swap3A_636], %swap3A_639 {strides = array<i32>} : memref<3200xf32, #tpu.memory_space<vmem>>, vector<16xf32>,
    %broadcast_in_dim3A_640 = arith.constant 1.000000e+00 : f32
    %broadcast_in_dim3A_641 = vector.broadcast %broadcast_in_dim3A_640 : f32 to vector<16xf32>
    %swap3A_642 = arith.constant 1712 : index
    %swap3A_643 = tpu.vector_load %arg6[%swap3A_642] {strides = array<i32>} : memref<3200xf32, #tpu.memory_space<vmem>>, vector<16xf32>,
    %swap3A_644 = vector.shape_cast %swap3A_643 : vector<16xf32> to vector<16xf32>
    %swap3A_645 = vector.shape_cast %broadcast_in_dim3A_641 : vector<16xf32> to vector<16xf32>
    tpu.vector_store %arg6[%swap3A_642], %swap3A_645 {strides = array<i32>} : memref<3200xf32, #tpu.memory_space<vmem>>, vector<16xf32>,
    %broadcast_in_dim3A_646 = arith.constant 1.000000e+00 : f32
    %broadcast_in_dim3A_647 = vector.broadcast %broadcast_in_dim3A_646 : f32 to vector<16xf32>
    %swap3A_648 = arith.constant 1728 : index
    %swap3A_649 = tpu.vector_load %arg6[%swap3A_648] {strides = array<i32>} : memref<3200xf32, #tpu.memory_space<vmem>>, vector<16xf32>,
    %swap3A_650 = vector.shape_cast %swap3A_649 : vector<16xf32> to vector<16xf32>
    %swap3A_651 = vector.shape_cast %broadcast_in_dim3A_647 : vector<16xf32> to vector<16xf32>
    tpu.vector_store %arg6[%swap3A_648], %swap3A_651 {strides = array<i32>} : memref<3200xf32, #tpu.memory_space<vmem>>, vector<16xf32>,
    %broadcast_in_dim3A_652 = arith.constant 1.000000e+00 : f32
    %broadcast_in_dim3A_653 = vector.broadcast %broadcast_in_dim3A_652 : f32 to vector<16xf32>
    %swap3A_654 = arith.constant 1744 : index
    %swap3A_655 = tpu.vector_load %arg6[%swap3A_654] {strides = array<i32>} : memref<3200xf32, #tpu.memory_space<vmem>>, vector<16xf32>,
    %swap3A_656 = vector.shape_cast %swap3A_655 : vector<16xf32> to vector<16xf32>
    %swap3A_657 = vector.shape_cast %broadcast_in_dim3A_653 : vector<16xf32> to vector<16xf32>
    tpu.vector_store %arg6[%swap3A_654], %swap3A_657 {strides = array<i32>} : memref<3200xf32, #tpu.memory_space<vmem>>, vector<16xf32>,
    %broadcast_in_dim3A_658 = arith.constant 1.000000e+00 : f32
    %broadcast_in_dim3A_659 = vector.broadcast %broadcast_in_dim3A_658 : f32 to vector<16xf32>
    %swap3A_660 = arith.constant 1760 : index
    %swap3A_661 = tpu.vector_load %arg6[%swap3A_660] {strides = array<i32>} : memref<3200xf32, #tpu.memory_space<vmem>>, vector<16xf32>,
    %swap3A_662 = vector.shape_cast %swap3A_661 : vector<16xf32> to vector<16xf32>
    %swap3A_663 = vector.shape_cast %broadcast_in_dim3A_659 : vector<16xf32> to vector<16xf32>
    tpu.vector_store %arg6[%swap3A_660], %swap3A_663 {strides = array<i32>} : memref<3200xf32, #tpu.memory_space<vmem>>, vector<16xf32>,
    %broadcast_in_dim3A_664 = arith.constant 1.000000e+00 : f32
    %broadcast_in_dim3A_665 = vector.broadcast %broadcast_in_dim3A_664 : f32 to vector<16xf32>
    %swap3A_666 = arith.constant 1776 : index
    %swap3A_667 = tpu.vector_load %arg6[%swap3A_666] {strides = array<i32>} : memref<3200xf32, #tpu.memory_space<vmem>>, vector<16xf32>,
    %swap3A_668 = vector.shape_cast %swap3A_667 : vector<16xf32> to vector<16xf32>
    %swap3A_669 = vector.shape_cast %broadcast_in_dim3A_665 : vector<16xf32> to vector<16xf32>
    tpu.vector_store %arg6[%swap3A_666], %swap3A_669 {strides = array<i32>} : memref<3200xf32, #tpu.memory_space<vmem>>, vector<16xf32>,
    %broadcast_in_dim3A_670 = arith.constant 1.000000e+00 : f32
    %broadcast_in_dim3A_671 = vector.broadcast %broadcast_in_dim3A_670 : f32 to vector<16xf32>
    %swap3A_672 = arith.constant 1792 : index
    %swap3A_673 = tpu.vector_load %arg6[%swap3A_672] {strides = array<i32>} : memref<3200xf32, #tpu.memory_space<vmem>>, vector<16xf32>,
    %swap3A_674 = vector.shape_cast %swap3A_673 : vector<16xf32> to vector<16xf32>
    %swap3A_675 = vector.shape_cast %broadcast_in_dim3A_671 : vector<16xf32> to vector<16xf32>
    tpu.vector_store %arg6[%swap3A_672], %swap3A_675 {strides = array<i32>} : memref<3200xf32, #tpu.memory_space<vmem>>, vector<16xf32>,
    %broadcast_in_dim3A_676 = arith.constant 1.000000e+00 : f32
    %broadcast_in_dim3A_677 = vector.broadcast %broadcast_in_dim3A_676 : f32 to vector<16xf32>
    %swap3A_678 = arith.constant 1808 : index
    %swap3A_679 = tpu.vector_load %arg6[%swap3A_678] {strides = array<i32>} : memref<3200xf32, #tpu.memory_space<vmem>>, vector<16xf32>,
    %swap3A_680 = vector.shape_cast %swap3A_679 : vector<16xf32> to vector<16xf32>
    %swap3A_681 = vector.shape_cast %broadcast_in_dim3A_677 : vector<16xf32> to vector<16xf32>
    tpu.vector_store %arg6[%swap3A_678], %swap3A_681 {strides = array<i32>} : memref<3200xf32, #tpu.memory_space<vmem>>, vector<16xf32>,
    %broadcast_in_dim3A_682 = arith.constant 1.000000e+00 : f32
    %broadcast_in_dim3A_683 = vector.broadcast %broadcast_in_dim3A_682 : f32 to vector<16xf32>
    %swap3A_684 = arith.constant 1824 : index
    %swap3A_685 = tpu.vector_load %arg6[%swap3A_684] {strides = array<i32>} : memref<3200xf32, #tpu.memory_space<vmem>>, vector<16xf32>,
    %swap3A_686 = vector.shape_cast %swap3A_685 : vector<16xf32> to vector<16xf32>
    %swap3A_687 = vector.shape_cast %broadcast_in_dim3A_683 : vector<16xf32> to vector<16xf32>
    tpu.vector_store %arg6[%swap3A_684], %swap3A_687 {strides = array<i32>} : memref<3200xf32, #tpu.memory_space<vmem>>, vector<16xf32>,
    %broadcast_in_dim3A_688 = arith.constant 1.000000e+00 : f32
    %broadcast_in_dim3A_689 = vector.broadcast %broadcast_in_dim3A_688 : f32 to vector<16xf32>
    %swap3A_690 = arith.constant 1840 : index
    %swap3A_691 = tpu.vector_load %arg6[%swap3A_690] {strides = array<i32>} : memref<3200xf32, #tpu.memory_space<vmem>>, vector<16xf32>,
    %swap3A_692 = vector.shape_cast %swap3A_691 : vector<16xf32> to vector<16xf32>
    %swap3A_693 = vector.shape_cast %broadcast_in_dim3A_689 : vector<16xf32> to vector<16xf32>
    tpu.vector_store %arg6[%swap3A_690], %swap3A_693 {strides = array<i32>} : memref<3200xf32, #tpu.memory_space<vmem>>, vector<16xf32>,
    %broadcast_in_dim3A_694 = arith.constant 1.000000e+00 : f32
    %broadcast_in_dim3A_695 = vector.broadcast %broadcast_in_dim3A_694 : f32 to vector<16xf32>
    %swap3A_696 = arith.constant 1856 : index
    %swap3A_697 = tpu.vector_load %arg6[%swap3A_696] {strides = array<i32>} : memref<3200xf32, #tpu.memory_space<vmem>>, vector<16xf32>,
    %swap3A_698 = vector.shape_cast %swap3A_697 : vector<16xf32> to vector<16xf32>
    %swap3A_699 = vector.shape_cast %broadcast_in_dim3A_695 : vector<16xf32> to vector<16xf32>
    tpu.vector_store %arg6[%swap3A_696], %swap3A_699 {strides = array<i32>} : memref<3200xf32, #tpu.memory_space<vmem>>, vector<16xf32>,
    %broadcast_in_dim3A_700 = arith.constant 1.000000e+00 : f32
    %broadcast_in_dim3A_701 = vector.broadcast %broadcast_in_dim3A_700 : f32 to vector<16xf32>
    %swap3A_702 = arith.constant 1872 : index
    %swap3A_703 = tpu.vector_load %arg6[%swap3A_702] {strides = array<i32>} : memref<3200xf32, #tpu.memory_space<vmem>>, vector<16xf32>,
    %swap3A_704 = vector.shape_cast %swap3A_703 : vector<16xf32> to vector<16xf32>
    %swap3A_705 = vector.shape_cast %broadcast_in_dim3A_701 : vector<16xf32> to vector<16xf32>
    tpu.vector_store %arg6[%swap3A_702], %swap3A_705 {strides = array<i32>} : memref<3200xf32, #tpu.memory_space<vmem>>, vector<16xf32>,
    %broadcast_in_dim3A_706 = arith.constant 1.000000e+00 : f32
    %broadcast_in_dim3A_707 = vector.broadcast %broadcast_in_dim3A_706 : f32 to vector<16xf32>
    %swap3A_708 = arith.constant 1888 : index
    %swap3A_709 = tpu.vector_load %arg6[%swap3A_708] {strides = array<i32>} : memref<3200xf32, #tpu.memory_space<vmem>>, vector<16xf32>,
    %swap3A_710 = vector.shape_cast %swap3A_709 : vector<16xf32> to vector<16xf32>
    %swap3A_711 = vector.shape_cast %broadcast_in_dim3A_707 : vector<16xf32> to vector<16xf32>
    tpu.vector_store %arg6[%swap3A_708], %swap3A_711 {strides = array<i32>} : memref<3200xf32, #tpu.memory_space<vmem>>, vector<16xf32>,
    %broadcast_in_dim3A_712 = arith.constant 1.000000e+00 : f32
    %broadcast_in_dim3A_713 = vector.broadcast %broadcast_in_dim3A_712 : f32 to vector<16xf32>
    %swap3A_714 = arith.constant 1904 : index
    %swap3A_715 = tpu.vector_load %arg6[%swap3A_714] {strides = array<i32>} : memref<3200xf32, #tpu.memory_space<vmem>>, vector<16xf32>,
    %swap3A_716 = vector.shape_cast %swap3A_715 : vector<16xf32> to vector<16xf32>
    %swap3A_717 = vector.shape_cast %broadcast_in_dim3A_713 : vector<16xf32> to vector<16xf32>
    tpu.vector_store %arg6[%swap3A_714], %swap3A_717 {strides = array<i32>} : memref<3200xf32, #tpu.memory_space<vmem>>, vector<16xf32>,
    %broadcast_in_dim3A_718 = arith.constant 1.000000e+00 : f32
    %broadcast_in_dim3A_719 = vector.broadcast %broadcast_in_dim3A_718 : f32 to vector<16xf32>
    %swap3A_720 = arith.constant 1920 : index
    %swap3A_721 = tpu.vector_load %arg6[%swap3A_720] {strides = array<i32>} : memref<3200xf32, #tpu.memory_space<vmem>>, vector<16xf32>,
    %swap3A_722 = vector.shape_cast %swap3A_721 : vector<16xf32> to vector<16xf32>
    %swap3A_723 = vector.shape_cast %broadcast_in_dim3A_719 : vector<16xf32> to vector<16xf32>
    tpu.vector_store %arg6[%swap3A_720], %swap3A_723 {strides = array<i32>} : memref<3200xf32, #tpu.memory_space<vmem>>, vector<16xf32>,
    %broadcast_in_dim3A_724 = arith.constant 1.000000e+00 : f32
    %broadcast_in_dim3A_725 = vector.broadcast %broadcast_in_dim3A_724 : f32 to vector<16xf32>
    %swap3A_726 = arith.constant 1936 : index
    %swap3A_727 = tpu.vector_load %arg6[%swap3A_726] {strides = array<i32>} : memref<3200xf32, #tpu.memory_space<vmem>>, vector<16xf32>,
    %swap3A_728 = vector.shape_cast %swap3A_727 : vector<16xf32> to vector<16xf32>
    %swap3A_729 = vector.shape_cast %broadcast_in_dim3A_725 : vector<16xf32> to vector<16xf32>
    tpu.vector_store %arg6[%swap3A_726], %swap3A_729 {strides = array<i32>} : memref<3200xf32, #tpu.memory_space<vmem>>, vector<16xf32>,
    %broadcast_in_dim3A_730 = arith.constant 1.000000e+00 : f32
    %broadcast_in_dim3A_731 = vector.broadcast %broadcast_in_dim3A_730 : f32 to vector<16xf32>
    %swap3A_732 = arith.constant 1952 : index
    %swap3A_733 = tpu.vector_load %arg6[%swap3A_732] {strides = array<i32>} : memref<3200xf32, #tpu.memory_space<vmem>>, vector<16xf32>,
    %swap3A_734 = vector.shape_cast %swap3A_733 : vector<16xf32> to vector<16xf32>
    %swap3A_735 = vector.shape_cast %broadcast_in_dim3A_731 : vector<16xf32> to vector<16xf32>
    tpu.vector_store %arg6[%swap3A_732], %swap3A_735 {strides = array<i32>} : memref<3200xf32, #tpu.memory_space<vmem>>, vector<16xf32>,
    %broadcast_in_dim3A_736 = arith.constant 1.000000e+00 : f32
    %broadcast_in_dim3A_737 = vector.broadcast %broadcast_in_dim3A_736 : f32 to vector<16xf32>
    %swap3A_738 = arith.constant 1968 : index
    %swap3A_739 = tpu.vector_load %arg6[%swap3A_738] {strides = array<i32>} : memref<3200xf32, #tpu.memory_space<vmem>>, vector<16xf32>,
    %swap3A_740 = vector.shape_cast %swap3A_739 : vector<16xf32> to vector<16xf32>
    %swap3A_741 = vector.shape_cast %broadcast_in_dim3A_737 : vector<16xf32> to vector<16xf32>
    tpu.vector_store %arg6[%swap3A_738], %swap3A_741 {strides = array<i32>} : memref<3200xf32, #tpu.memory_space<vmem>>, vector<16xf32>,
    %broadcast_in_dim3A_742 = arith.constant 1.000000e+00 : f32
    %broadcast_in_dim3A_743 = vector.broadcast %broadcast_in_dim3A_742 : f32 to vector<16xf32>
    %swap3A_744 = arith.constant 1984 : index
    %swap3A_745 = tpu.vector_load %arg6[%swap3A_744] {strides = array<i32>} : memref<3200xf32, #tpu.memory_space<vmem>>, vector<16xf32>,
    %swap3A_746 = vector.shape_cast %swap3A_745 : vector<16xf32> to vector<16xf32>
    %swap3A_747 = vector.shape_cast %broadcast_in_dim3A_743 : vector<16xf32> to vector<16xf32>
    tpu.vector_store %arg6[%swap3A_744], %swap3A_747 {strides = array<i32>} : memref<3200xf32, #tpu.memory_space<vmem>>, vector<16xf32>,
    %broadcast_in_dim3A_748 = arith.constant 1.000000e+00 : f32
    %broadcast_in_dim3A_749 = vector.broadcast %broadcast_in_dim3A_748 : f32 to vector<16xf32>
    %swap3A_750 = arith.constant 2000 : index
    %swap3A_751 = tpu.vector_load %arg6[%swap3A_750] {strides = array<i32>} : memref<3200xf32, #tpu.memory_space<vmem>>, vector<16xf32>,
    %swap3A_752 = vector.shape_cast %swap3A_751 : vector<16xf32> to vector<16xf32>
    %swap3A_753 = vector.shape_cast %broadcast_in_dim3A_749 : vector<16xf32> to vector<16xf32>
    tpu.vector_store %arg6[%swap3A_750], %swap3A_753 {strides = array<i32>} : memref<3200xf32, #tpu.memory_space<vmem>>, vector<16xf32>,
    %broadcast_in_dim3A_754 = arith.constant 1.000000e+00 : f32
    %broadcast_in_dim3A_755 = vector.broadcast %broadcast_in_dim3A_754 : f32 to vector<16xf32>
    %swap3A_756 = arith.constant 2016 : index
    %swap3A_757 = tpu.vector_load %arg6[%swap3A_756] {strides = array<i32>} : memref<3200xf32, #tpu.memory_space<vmem>>, vector<16xf32>,
    %swap3A_758 = vector.shape_cast %swap3A_757 : vector<16xf32> to vector<16xf32>
    %swap3A_759 = vector.shape_cast %broadcast_in_dim3A_755 : vector<16xf32> to vector<16xf32>
    tpu.vector_store %arg6[%swap3A_756], %swap3A_759 {strides = array<i32>} : memref<3200xf32, #tpu.memory_space<vmem>>, vector<16xf32>,
    %broadcast_in_dim3A_760 = arith.constant 1.000000e+00 : f32
    %broadcast_in_dim3A_761 = vector.broadcast %broadcast_in_dim3A_760 : f32 to vector<16xf32>
    %swap3A_762 = arith.constant 2032 : index
    %swap3A_763 = tpu.vector_load %arg6[%swap3A_762] {strides = array<i32>} : memref<3200xf32, #tpu.memory_space<vmem>>, vector<16xf32>,
    %swap3A_764 = vector.shape_cast %swap3A_763 : vector<16xf32> to vector<16xf32>
    %swap3A_765 = vector.shape_cast %broadcast_in_dim3A_761 : vector<16xf32> to vector<16xf32>
    tpu.vector_store %arg6[%swap3A_762], %swap3A_765 {strides = array<i32>} : memref<3200xf32, #tpu.memory_space<vmem>>, vector<16xf32>,
    %broadcast_in_dim3A_766 = arith.constant 1.000000e+00 : f32
    %broadcast_in_dim3A_767 = vector.broadcast %broadcast_in_dim3A_766 : f32 to vector<16xf32>
    %swap3A_768 = arith.constant 2048 : index
    %swap3A_769 = tpu.vector_load %arg6[%swap3A_768] {strides = array<i32>} : memref<3200xf32, #tpu.memory_space<vmem>>, vector<16xf32>,
    %swap3A_770 = vector.shape_cast %swap3A_769 : vector<16xf32> to vector<16xf32>
    %swap3A_771 = vector.shape_cast %broadcast_in_dim3A_767 : vector<16xf32> to vector<16xf32>
    tpu.vector_store %arg6[%swap3A_768], %swap3A_771 {strides = array<i32>} : memref<3200xf32, #tpu.memory_space<vmem>>, vector<16xf32>,
    %broadcast_in_dim3A_772 = arith.constant 1.000000e+00 : f32
    %broadcast_in_dim3A_773 = vector.broadcast %broadcast_in_dim3A_772 : f32 to vector<16xf32>
    %swap3A_774 = arith.constant 2064 : index
    %swap3A_775 = tpu.vector_load %arg6[%swap3A_774] {strides = array<i32>} : memref<3200xf32, #tpu.memory_space<vmem>>, vector<16xf32>,
    %swap3A_776 = vector.shape_cast %swap3A_775 : vector<16xf32> to vector<16xf32>
    %swap3A_777 = vector.shape_cast %broadcast_in_dim3A_773 : vector<16xf32> to vector<16xf32>
    tpu.vector_store %arg6[%swap3A_774], %swap3A_777 {strides = array<i32>} : memref<3200xf32, #tpu.memory_space<vmem>>, vector<16xf32>,
    %broadcast_in_dim3A_778 = arith.constant 1.000000e+00 : f32
    %broadcast_in_dim3A_779 = vector.broadcast %broadcast_in_dim3A_778 : f32 to vector<16xf32>
    %swap3A_780 = arith.constant 2080 : index
    %swap3A_781 = tpu.vector_load %arg6[%swap3A_780] {strides = array<i32>} : memref<3200xf32, #tpu.memory_space<vmem>>, vector<16xf32>,
    %swap3A_782 = vector.shape_cast %swap3A_781 : vector<16xf32> to vector<16xf32>
    %swap3A_783 = vector.shape_cast %broadcast_in_dim3A_779 : vector<16xf32> to vector<16xf32>
    tpu.vector_store %arg6[%swap3A_780], %swap3A_783 {strides = array<i32>} : memref<3200xf32, #tpu.memory_space<vmem>>, vector<16xf32>,
    %broadcast_in_dim3A_784 = arith.constant 1.000000e+00 : f32
    %broadcast_in_dim3A_785 = vector.broadcast %broadcast_in_dim3A_784 : f32 to vector<16xf32>
    %swap3A_786 = arith.constant 2096 : index
    %swap3A_787 = tpu.vector_load %arg6[%swap3A_786] {strides = array<i32>} : memref<3200xf32, #tpu.memory_space<vmem>>, vector<16xf32>,
    %swap3A_788 = vector.shape_cast %swap3A_787 : vector<16xf32> to vector<16xf32>
    %swap3A_789 = vector.shape_cast %broadcast_in_dim3A_785 : vector<16xf32> to vector<16xf32>
    tpu.vector_store %arg6[%swap3A_786], %swap3A_789 {strides = array<i32>} : memref<3200xf32, #tpu.memory_space<vmem>>, vector<16xf32>,
    %broadcast_in_dim3A_790 = arith.constant 1.000000e+00 : f32
    %broadcast_in_dim3A_791 = vector.broadcast %broadcast_in_dim3A_790 : f32 to vector<16xf32>
    %swap3A_792 = arith.constant 2112 : index
    %swap3A_793 = tpu.vector_load %arg6[%swap3A_792] {strides = array<i32>} : memref<3200xf32, #tpu.memory_space<vmem>>, vector<16xf32>,
    %swap3A_794 = vector.shape_cast %swap3A_793 : vector<16xf32> to vector<16xf32>
    %swap3A_795 = vector.shape_cast %broadcast_in_dim3A_791 : vector<16xf32> to vector<16xf32>
    tpu.vector_store %arg6[%swap3A_792], %swap3A_795 {strides = array<i32>} : memref<3200xf32, #tpu.memory_space<vmem>>, vector<16xf32>,
    %broadcast_in_dim3A_796 = arith.constant 1.000000e+00 : f32
    %broadcast_in_dim3A_797 = vector.broadcast %broadcast_in_dim3A_796 : f32 to vector<16xf32>
    %swap3A_798 = arith.constant 2128 : index
    %swap3A_799 = tpu.vector_load %arg6[%swap3A_798] {strides = array<i32>} : memref<3200xf32, #tpu.memory_space<vmem>>, vector<16xf32>,
    %swap3A_800 = vector.shape_cast %swap3A_799 : vector<16xf32> to vector<16xf32>
    %swap3A_801 = vector.shape_cast %broadcast_in_dim3A_797 : vector<16xf32> to vector<16xf32>
    tpu.vector_store %arg6[%swap3A_798], %swap3A_801 {strides = array<i32>} : memref<3200xf32, #tpu.memory_space<vmem>>, vector<16xf32>,
    %broadcast_in_dim3A_802 = arith.constant 1.000000e+00 : f32
    %broadcast_in_dim3A_803 = vector.broadcast %broadcast_in_dim3A_802 : f32 to vector<16xf32>
    %swap3A_804 = arith.constant 2144 : index
    %swap3A_805 = tpu.vector_load %arg6[%swap3A_804] {strides = array<i32>} : memref<3200xf32, #tpu.memory_space<vmem>>, vector<16xf32>,
    %swap3A_806 = vector.shape_cast %swap3A_805 : vector<16xf32> to vector<16xf32>
    %swap3A_807 = vector.shape_cast %broadcast_in_dim3A_803 : vector<16xf32> to vector<16xf32>
    tpu.vector_store %arg6[%swap3A_804], %swap3A_807 {strides = array<i32>} : memref<3200xf32, #tpu.memory_space<vmem>>, vector<16xf32>,
    %broadcast_in_dim3A_808 = arith.constant 1.000000e+00 : f32
    %broadcast_in_dim3A_809 = vector.broadcast %broadcast_in_dim3A_808 : f32 to vector<16xf32>
    %swap3A_810 = arith.constant 2160 : index
    %swap3A_811 = tpu.vector_load %arg6[%swap3A_810] {strides = array<i32>} : memref<3200xf32, #tpu.memory_space<vmem>>, vector<16xf32>,
    %swap3A_812 = vector.shape_cast %swap3A_811 : vector<16xf32> to vector<16xf32>
    %swap3A_813 = vector.shape_cast %broadcast_in_dim3A_809 : vector<16xf32> to vector<16xf32>
    tpu.vector_store %arg6[%swap3A_810], %swap3A_813 {strides = array<i32>} : memref<3200xf32, #tpu.memory_space<vmem>>, vector<16xf32>,
    %broadcast_in_dim3A_814 = arith.constant 1.000000e+00 : f32
    %broadcast_in_dim3A_815 = vector.broadcast %broadcast_in_dim3A_814 : f32 to vector<16xf32>
    %swap3A_816 = arith.constant 2176 : index
    %swap3A_817 = tpu.vector_load %arg6[%swap3A_816] {strides = array<i32>} : memref<3200xf32, #tpu.memory_space<vmem>>, vector<16xf32>,
    %swap3A_818 = vector.shape_cast %swap3A_817 : vector<16xf32> to vector<16xf32>
    %swap3A_819 = vector.shape_cast %broadcast_in_dim3A_815 : vector<16xf32> to vector<16xf32>
    tpu.vector_store %arg6[%swap3A_816], %swap3A_819 {strides = array<i32>} : memref<3200xf32, #tpu.memory_space<vmem>>, vector<16xf32>,
    %broadcast_in_dim3A_820 = arith.constant 1.000000e+00 : f32
    %broadcast_in_dim3A_821 = vector.broadcast %broadcast_in_dim3A_820 : f32 to vector<16xf32>
    %swap3A_822 = arith.constant 2192 : index
    %swap3A_823 = tpu.vector_load %arg6[%swap3A_822] {strides = array<i32>} : memref<3200xf32, #tpu.memory_space<vmem>>, vector<16xf32>,
    %swap3A_824 = vector.shape_cast %swap3A_823 : vector<16xf32> to vector<16xf32>
    %swap3A_825 = vector.shape_cast %broadcast_in_dim3A_821 : vector<16xf32> to vector<16xf32>
    tpu.vector_store %arg6[%swap3A_822], %swap3A_825 {strides = array<i32>} : memref<3200xf32, #tpu.memory_space<vmem>>, vector<16xf32>,
    %broadcast_in_dim3A_826 = arith.constant 1.000000e+00 : f32
    %broadcast_in_dim3A_827 = vector.broadcast %broadcast_in_dim3A_826 : f32 to vector<16xf32>
    %swap3A_828 = arith.constant 2208 : index
    %swap3A_829 = tpu.vector_load %arg6[%swap3A_828] {strides = array<i32>} : memref<3200xf32, #tpu.memory_space<vmem>>, vector<16xf32>,
    %swap3A_830 = vector.shape_cast %swap3A_829 : vector<16xf32> to vector<16xf32>
    %swap3A_831 = vector.shape_cast %broadcast_in_dim3A_827 : vector<16xf32> to vector<16xf32>
    tpu.vector_store %arg6[%swap3A_828], %swap3A_831 {strides = array<i32>} : memref<3200xf32, #tpu.memory_space<vmem>>, vector<16xf32>,
    %broadcast_in_dim3A_832 = arith.constant 1.000000e+00 : f32
    %broadcast_in_dim3A_833 = vector.broadcast %broadcast_in_dim3A_832 : f32 to vector<16xf32>
    %swap3A_834 = arith.constant 2224 : index
    %swap3A_835 = tpu.vector_load %arg6[%swap3A_834] {strides = array<i32>} : memref<3200xf32, #tpu.memory_space<vmem>>, vector<16xf32>,
    %swap3A_836 = vector.shape_cast %swap3A_835 : vector<16xf32> to vector<16xf32>
    %swap3A_837 = vector.shape_cast %broadcast_in_dim3A_833 : vector<16xf32> to vector<16xf32>
    tpu.vector_store %arg6[%swap3A_834], %swap3A_837 {strides = array<i32>} : memref<3200xf32, #tpu.memory_space<vmem>>, vector<16xf32>,
    %broadcast_in_dim3A_838 = arith.constant 1.000000e+00 : f32
    %broadcast_in_dim3A_839 = vector.broadcast %broadcast_in_dim3A_838 : f32 to vector<16xf32>
    %swap3A_840 = arith.constant 2240 : index
    %swap3A_841 = tpu.vector_load %arg6[%swap3A_840] {strides = array<i32>} : memref<3200xf32, #tpu.memory_space<vmem>>, vector<16xf32>,
    %swap3A_842 = vector.shape_cast %swap3A_841 : vector<16xf32> to vector<16xf32>
    %swap3A_843 = vector.shape_cast %broadcast_in_dim3A_839 : vector<16xf32> to vector<16xf32>
    tpu.vector_store %arg6[%swap3A_840], %swap3A_843 {strides = array<i32>} : memref<3200xf32, #tpu.memory_space<vmem>>, vector<16xf32>,
    %broadcast_in_dim3A_844 = arith.constant 1.000000e+00 : f32
    %broadcast_in_dim3A_845 = vector.broadcast %broadcast_in_dim3A_844 : f32 to vector<16xf32>
    %swap3A_846 = arith.constant 2256 : index
    %swap3A_847 = tpu.vector_load %arg6[%swap3A_846] {strides = array<i32>} : memref<3200xf32, #tpu.memory_space<vmem>>, vector<16xf32>,
    %swap3A_848 = vector.shape_cast %swap3A_847 : vector<16xf32> to vector<16xf32>
    %swap3A_849 = vector.shape_cast %broadcast_in_dim3A_845 : vector<16xf32> to vector<16xf32>
    tpu.vector_store %arg6[%swap3A_846], %swap3A_849 {strides = array<i32>} : memref<3200xf32, #tpu.memory_space<vmem>>, vector<16xf32>,
    %broadcast_in_dim3A_850 = arith.constant 1.000000e+00 : f32
    %broadcast_in_dim3A_851 = vector.broadcast %broadcast_in_dim3A_850 : f32 to vector<16xf32>
    %swap3A_852 = arith.constant 2272 : index
    %swap3A_853 = tpu.vector_load %arg6[%swap3A_852] {strides = array<i32>} : memref<3200xf32, #tpu.memory_space<vmem>>, vector<16xf32>,
    %swap3A_854 = vector.shape_cast %swap3A_853 : vector<16xf32> to vector<16xf32>
    %swap3A_855 = vector.shape_cast %broadcast_in_dim3A_851 : vector<16xf32> to vector<16xf32>
    tpu.vector_store %arg6[%swap3A_852], %swap3A_855 {strides = array<i32>} : memref<3200xf32, #tpu.memory_space<vmem>>, vector<16xf32>,
    %broadcast_in_dim3A_856 = arith.constant 1.000000e+00 : f32
    %broadcast_in_dim3A_857 = vector.broadcast %broadcast_in_dim3A_856 : f32 to vector<16xf32>
    %swap3A_858 = arith.constant 2288 : index
    %swap3A_859 = tpu.vector_load %arg6[%swap3A_858] {strides = array<i32>} : memref<3200xf32, #tpu.memory_space<vmem>>, vector<16xf32>,
    %swap3A_860 = vector.shape_cast %swap3A_859 : vector<16xf32> to vector<16xf32>
    %swap3A_861 = vector.shape_cast %broadcast_in_dim3A_857 : vector<16xf32> to vector<16xf32>
    tpu.vector_store %arg6[%swap3A_858], %swap3A_861 {strides = array<i32>} : memref<3200xf32, #tpu.memory_space<vmem>>, vector<16xf32>,
    %broadcast_in_dim3A_862 = arith.constant 1.000000e+00 : f32
    %broadcast_in_dim3A_863 = vector.broadcast %broadcast_in_dim3A_862 : f32 to vector<16xf32>
    %swap3A_864 = arith.constant 2304 : index
    %swap3A_865 = tpu.vector_load %arg6[%swap3A_864] {strides = array<i32>} : memref<3200xf32, #tpu.memory_space<vmem>>, vector<16xf32>,
    %swap3A_866 = vector.shape_cast %swap3A_865 : vector<16xf32> to vector<16xf32>
    %swap3A_867 = vector.shape_cast %broadcast_in_dim3A_863 : vector<16xf32> to vector<16xf32>
    tpu.vector_store %arg6[%swap3A_864], %swap3A_867 {strides = array<i32>} : memref<3200xf32, #tpu.memory_space<vmem>>, vector<16xf32>,
    %broadcast_in_dim3A_868 = arith.constant 1.000000e+00 : f32
    %broadcast_in_dim3A_869 = vector.broadcast %broadcast_in_dim3A_868 : f32 to vector<16xf32>
    %swap3A_870 = arith.constant 2320 : index
    %swap3A_871 = tpu.vector_load %arg6[%swap3A_870] {strides = array<i32>} : memref<3200xf32, #tpu.memory_space<vmem>>, vector<16xf32>,
    %swap3A_872 = vector.shape_cast %swap3A_871 : vector<16xf32> to vector<16xf32>
    %swap3A_873 = vector.shape_cast %broadcast_in_dim3A_869 : vector<16xf32> to vector<16xf32>
    tpu.vector_store %arg6[%swap3A_870], %swap3A_873 {strides = array<i32>} : memref<3200xf32, #tpu.memory_space<vmem>>, vector<16xf32>,
    %broadcast_in_dim3A_874 = arith.constant 1.000000e+00 : f32
    %broadcast_in_dim3A_875 = vector.broadcast %broadcast_in_dim3A_874 : f32 to vector<16xf32>
    %swap3A_876 = arith.constant 2336 : index
    %swap3A_877 = tpu.vector_load %arg6[%swap3A_876] {strides = array<i32>} : memref<3200xf32, #tpu.memory_space<vmem>>, vector<16xf32>,
    %swap3A_878 = vector.shape_cast %swap3A_877 : vector<16xf32> to vector<16xf32>
    %swap3A_879 = vector.shape_cast %broadcast_in_dim3A_875 : vector<16xf32> to vector<16xf32>
    tpu.vector_store %arg6[%swap3A_876], %swap3A_879 {strides = array<i32>} : memref<3200xf32, #tpu.memory_space<vmem>>, vector<16xf32>,
    %broadcast_in_dim3A_880 = arith.constant 1.000000e+00 : f32
    %broadcast_in_dim3A_881 = vector.broadcast %broadcast_in_dim3A_880 : f32 to vector<16xf32>
    %swap3A_882 = arith.constant 2352 : index
    %swap3A_883 = tpu.vector_load %arg6[%swap3A_882] {strides = array<i32>} : memref<3200xf32, #tpu.memory_space<vmem>>, vector<16xf32>,
    %swap3A_884 = vector.shape_cast %swap3A_883 : vector<16xf32> to vector<16xf32>
    %swap3A_885 = vector.shape_cast %broadcast_in_dim3A_881 : vector<16xf32> to vector<16xf32>
    tpu.vector_store %arg6[%swap3A_882], %swap3A_885 {strides = array<i32>} : memref<3200xf32, #tpu.memory_space<vmem>>, vector<16xf32>,
    %broadcast_in_dim3A_886 = arith.constant 1.000000e+00 : f32
    %broadcast_in_dim3A_887 = vector.broadcast %broadcast_in_dim3A_886 : f32 to vector<16xf32>
    %swap3A_888 = arith.constant 2368 : index
    %swap3A_889 = tpu.vector_load %arg6[%swap3A_888] {strides = array<i32>} : memref<3200xf32, #tpu.memory_space<vmem>>, vector<16xf32>,
    %swap3A_890 = vector.shape_cast %swap3A_889 : vector<16xf32> to vector<16xf32>
    %swap3A_891 = vector.shape_cast %broadcast_in_dim3A_887 : vector<16xf32> to vector<16xf32>
    tpu.vector_store %arg6[%swap3A_888], %swap3A_891 {strides = array<i32>} : memref<3200xf32, #tpu.memory_space<vmem>>, vector<16xf32>,
    %broadcast_in_dim3A_892 = arith.constant 1.000000e+00 : f32
    %broadcast_in_dim3A_893 = vector.broadcast %broadcast_in_dim3A_892 : f32 to vector<16xf32>
    %swap3A_894 = arith.constant 2384 : index
    %swap3A_895 = tpu.vector_load %arg6[%swap3A_894] {strides = array<i32>} : memref<3200xf32, #tpu.memory_space<vmem>>, vector<16xf32>,
    %swap3A_896 = vector.shape_cast %swap3A_895 : vector<16xf32> to vector<16xf32>
    %swap3A_897 = vector.shape_cast %broadcast_in_dim3A_893 : vector<16xf32> to vector<16xf32>
    tpu.vector_store %arg6[%swap3A_894], %swap3A_897 {strides = array<i32>} : memref<3200xf32, #tpu.memory_space<vmem>>, vector<16xf32>,
    %broadcast_in_dim3A_898 = arith.constant 1.000000e+00 : f32
    %broadcast_in_dim3A_899 = vector.broadcast %broadcast_in_dim3A_898 : f32 to vector<16xf32>
    %swap3A_900 = arith.constant 2400 : index
    %swap3A_901 = tpu.vector_load %arg6[%swap3A_900] {strides = array<i32>} : memref<3200xf32, #tpu.memory_space<vmem>>, vector<16xf32>,
    %swap3A_902 = vector.shape_cast %swap3A_901 : vector<16xf32> to vector<16xf32>
    %swap3A_903 = vector.shape_cast %broadcast_in_dim3A_899 : vector<16xf32> to vector<16xf32>
    tpu.vector_store %arg6[%swap3A_900], %swap3A_903 {strides = array<i32>} : memref<3200xf32, #tpu.memory_space<vmem>>, vector<16xf32>,
    %broadcast_in_dim3A_904 = arith.constant 1.000000e+00 : f32
    %broadcast_in_dim3A_905 = vector.broadcast %broadcast_in_dim3A_904 : f32 to vector<16xf32>
    %swap3A_906 = arith.constant 2416 : index
    %swap3A_907 = tpu.vector_load %arg6[%swap3A_906] {strides = array<i32>} : memref<3200xf32, #tpu.memory_space<vmem>>, vector<16xf32>,
    %swap3A_908 = vector.shape_cast %swap3A_907 : vector<16xf32> to vector<16xf32>
    %swap3A_909 = vector.shape_cast %broadcast_in_dim3A_905 : vector<16xf32> to vector<16xf32>
    tpu.vector_store %arg6[%swap3A_906], %swap3A_909 {strides = array<i32>} : memref<3200xf32, #tpu.memory_space<vmem>>, vector<16xf32>,
    %broadcast_in_dim3A_910 = arith.constant 1.000000e+00 : f32
    %broadcast_in_dim3A_911 = vector.broadcast %broadcast_in_dim3A_910 : f32 to vector<16xf32>
    %swap3A_912 = arith.constant 2432 : index
    %swap3A_913 = tpu.vector_load %arg6[%swap3A_912] {strides = array<i32>} : memref<3200xf32, #tpu.memory_space<vmem>>, vector<16xf32>,
    %swap3A_914 = vector.shape_cast %swap3A_913 : vector<16xf32> to vector<16xf32>
    %swap3A_915 = vector.shape_cast %broadcast_in_dim3A_911 : vector<16xf32> to vector<16xf32>
    tpu.vector_store %arg6[%swap3A_912], %swap3A_915 {strides = array<i32>} : memref<3200xf32, #tpu.memory_space<vmem>>, vector<16xf32>,
    %broadcast_in_dim3A_916 = arith.constant 1.000000e+00 : f32
    %broadcast_in_dim3A_917 = vector.broadcast %broadcast_in_dim3A_916 : f32 to vector<16xf32>
    %swap3A_918 = arith.constant 2448 : index
    %swap3A_919 = tpu.vector_load %arg6[%swap3A_918] {strides = array<i32>} : memref<3200xf32, #tpu.memory_space<vmem>>, vector<16xf32>,
    %swap3A_920 = vector.shape_cast %swap3A_919 : vector<16xf32> to vector<16xf32>
    %swap3A_921 = vector.shape_cast %broadcast_in_dim3A_917 : vector<16xf32> to vector<16xf32>
    tpu.vector_store %arg6[%swap3A_918], %swap3A_921 {strides = array<i32>} : memref<3200xf32, #tpu.memory_space<vmem>>, vector<16xf32>,
    %broadcast_in_dim3A_922 = arith.constant 1.000000e+00 : f32
    %broadcast_in_dim3A_923 = vector.broadcast %broadcast_in_dim3A_922 : f32 to vector<16xf32>
    %swap3A_924 = arith.constant 2464 : index
    %swap3A_925 = tpu.vector_load %arg6[%swap3A_924] {strides = array<i32>} : memref<3200xf32, #tpu.memory_space<vmem>>, vector<16xf32>,
    %swap3A_926 = vector.shape_cast %swap3A_925 : vector<16xf32> to vector<16xf32>
    %swap3A_927 = vector.shape_cast %broadcast_in_dim3A_923 : vector<16xf32> to vector<16xf32>
    tpu.vector_store %arg6[%swap3A_924], %swap3A_927 {strides = array<i32>} : memref<3200xf32, #tpu.memory_space<vmem>>, vector<16xf32>,
    %broadcast_in_dim3A_928 = arith.constant 1.000000e+00 : f32
    %broadcast_in_dim3A_929 = vector.broadcast %broadcast_in_dim3A_928 : f32 to vector<16xf32>
    %swap3A_930 = arith.constant 2480 : index
    %swap3A_931 = tpu.vector_load %arg6[%swap3A_930] {strides = array<i32>} : memref<3200xf32, #tpu.memory_space<vmem>>, vector<16xf32>,
    %swap3A_932 = vector.shape_cast %swap3A_931 : vector<16xf32> to vector<16xf32>
    %swap3A_933 = vector.shape_cast %broadcast_in_dim3A_929 : vector<16xf32> to vector<16xf32>
    tpu.vector_store %arg6[%swap3A_930], %swap3A_933 {strides = array<i32>} : memref<3200xf32, #tpu.memory_space<vmem>>, vector<16xf32>,
    %broadcast_in_dim3A_934 = arith.constant 1.000000e+00 : f32
    %broadcast_in_dim3A_935 = vector.broadcast %broadcast_in_dim3A_934 : f32 to vector<16xf32>
    %swap3A_936 = arith.constant 2496 : index
    %swap3A_937 = tpu.vector_load %arg6[%swap3A_936] {strides = array<i32>} : memref<3200xf32, #tpu.memory_space<vmem>>, vector<16xf32>,
    %swap3A_938 = vector.shape_cast %swap3A_937 : vector<16xf32> to vector<16xf32>
    %swap3A_939 = vector.shape_cast %broadcast_in_dim3A_935 : vector<16xf32> to vector<16xf32>
    tpu.vector_store %arg6[%swap3A_936], %swap3A_939 {strides = array<i32>} : memref<3200xf32, #tpu.memory_space<vmem>>, vector<16xf32>,
    %broadcast_in_dim3A_940 = arith.constant 1.000000e+00 : f32
    %broadcast_in_dim3A_941 = vector.broadcast %broadcast_in_dim3A_940 : f32 to vector<16xf32>
    %swap3A_942 = arith.constant 2512 : index
    %swap3A_943 = tpu.vector_load %arg6[%swap3A_942] {strides = array<i32>} : memref<3200xf32, #tpu.memory_space<vmem>>, vector<16xf32>,
    %swap3A_944 = vector.shape_cast %swap3A_943 : vector<16xf32> to vector<16xf32>
    %swap3A_945 = vector.shape_cast %broadcast_in_dim3A_941 : vector<16xf32> to vector<16xf32>
    tpu.vector_store %arg6[%swap3A_942], %swap3A_945 {strides = array<i32>} : memref<3200xf32, #tpu.memory_space<vmem>>, vector<16xf32>,
    %broadcast_in_dim3A_946 = arith.constant 1.000000e+00 : f32
    %broadcast_in_dim3A_947 = vector.broadcast %broadcast_in_dim3A_946 : f32 to vector<16xf32>
    %swap3A_948 = arith.constant 2528 : index
    %swap3A_949 = tpu.vector_load %arg6[%swap3A_948] {strides = array<i32>} : memref<3200xf32, #tpu.memory_space<vmem>>, vector<16xf32>,
    %swap3A_950 = vector.shape_cast %swap3A_949 : vector<16xf32> to vector<16xf32>
    %swap3A_951 = vector.shape_cast %broadcast_in_dim3A_947 : vector<16xf32> to vector<16xf32>
    tpu.vector_store %arg6[%swap3A_948], %swap3A_951 {strides = array<i32>} : memref<3200xf32, #tpu.memory_space<vmem>>, vector<16xf32>,
    %broadcast_in_dim3A_952 = arith.constant 1.000000e+00 : f32
    %broadcast_in_dim3A_953 = vector.broadcast %broadcast_in_dim3A_952 : f32 to vector<16xf32>
    %swap3A_954 = arith.constant 2544 : index
    %swap3A_955 = tpu.vector_load %arg6[%swap3A_954] {strides = array<i32>} : memref<3200xf32, #tpu.memory_space<vmem>>, vector<16xf32>,
    %swap3A_956 = vector.shape_cast %swap3A_955 : vector<16xf32> to vector<16xf32>
    %swap3A_957 = vector.shape_cast %broadcast_in_dim3A_953 : vector<16xf32> to vector<16xf32>
    tpu.vector_store %arg6[%swap3A_954], %swap3A_957 {strides = array<i32>} : memref<3200xf32, #tpu.memory_space<vmem>>, vector<16xf32>,
    %broadcast_in_dim3A_958 = arith.constant 1.000000e+00 : f32
    %broadcast_in_dim3A_959 = vector.broadcast %broadcast_in_dim3A_958 : f32 to vector<16xf32>
    %swap3A_960 = arith.constant 2560 : index
    %swap3A_961 = tpu.vector_load %arg6[%swap3A_960] {strides = array<i32>} : memref<3200xf32, #tpu.memory_space<vmem>>, vector<16xf32>,
    %swap3A_962 = vector.shape_cast %swap3A_961 : vector<16xf32> to vector<16xf32>
    %swap3A_963 = vector.shape_cast %broadcast_in_dim3A_959 : vector<16xf32> to vector<16xf32>
    tpu.vector_store %arg6[%swap3A_960], %swap3A_963 {strides = array<i32>} : memref<3200xf32, #tpu.memory_space<vmem>>, vector<16xf32>,
    %broadcast_in_dim3A_964 = arith.constant 1.000000e+00 : f32
    %broadcast_in_dim3A_965 = vector.broadcast %broadcast_in_dim3A_964 : f32 to vector<16xf32>
    %swap3A_966 = arith.constant 2576 : index
    %swap3A_967 = tpu.vector_load %arg6[%swap3A_966] {strides = array<i32>} : memref<3200xf32, #tpu.memory_space<vmem>>, vector<16xf32>,
    %swap3A_968 = vector.shape_cast %swap3A_967 : vector<16xf32> to vector<16xf32>
    %swap3A_969 = vector.shape_cast %broadcast_in_dim3A_965 : vector<16xf32> to vector<16xf32>
    tpu.vector_store %arg6[%swap3A_966], %swap3A_969 {strides = array<i32>} : memref<3200xf32, #tpu.memory_space<vmem>>, vector<16xf32>,
    %broadcast_in_dim3A_970 = arith.constant 1.000000e+00 : f32
    %broadcast_in_dim3A_971 = vector.broadcast %broadcast_in_dim3A_970 : f32 to vector<16xf32>
    %swap3A_972 = arith.constant 2592 : index
    %swap3A_973 = tpu.vector_load %arg6[%swap3A_972] {strides = array<i32>} : memref<3200xf32, #tpu.memory_space<vmem>>, vector<16xf32>,
    %swap3A_974 = vector.shape_cast %swap3A_973 : vector<16xf32> to vector<16xf32>
    %swap3A_975 = vector.shape_cast %broadcast_in_dim3A_971 : vector<16xf32> to vector<16xf32>
    tpu.vector_store %arg6[%swap3A_972], %swap3A_975 {strides = array<i32>} : memref<3200xf32, #tpu.memory_space<vmem>>, vector<16xf32>,
    %broadcast_in_dim3A_976 = arith.constant 1.000000e+00 : f32
    %broadcast_in_dim3A_977 = vector.broadcast %broadcast_in_dim3A_976 : f32 to vector<16xf32>
    %swap3A_978 = arith.constant 2608 : index
    %swap3A_979 = tpu.vector_load %arg6[%swap3A_978] {strides = array<i32>} : memref<3200xf32, #tpu.memory_space<vmem>>, vector<16xf32>,
    %swap3A_980 = vector.shape_cast %swap3A_979 : vector<16xf32> to vector<16xf32>
    %swap3A_981 = vector.shape_cast %broadcast_in_dim3A_977 : vector<16xf32> to vector<16xf32>
    tpu.vector_store %arg6[%swap3A_978], %swap3A_981 {strides = array<i32>} : memref<3200xf32, #tpu.memory_space<vmem>>, vector<16xf32>,
    %broadcast_in_dim3A_982 = arith.constant 1.000000e+00 : f32
    %broadcast_in_dim3A_983 = vector.broadcast %broadcast_in_dim3A_982 : f32 to vector<16xf32>
    %swap3A_984 = arith.constant 2624 : index
    %swap3A_985 = tpu.vector_load %arg6[%swap3A_984] {strides = array<i32>} : memref<3200xf32, #tpu.memory_space<vmem>>, vector<16xf32>,
    %swap3A_986 = vector.shape_cast %swap3A_985 : vector<16xf32> to vector<16xf32>
    %swap3A_987 = vector.shape_cast %broadcast_in_dim3A_983 : vector<16xf32> to vector<16xf32>
    tpu.vector_store %arg6[%swap3A_984], %swap3A_987 {strides = array<i32>} : memref<3200xf32, #tpu.memory_space<vmem>>, vector<16xf32>,
    %broadcast_in_dim3A_988 = arith.constant 1.000000e+00 : f32
    %broadcast_in_dim3A_989 = vector.broadcast %broadcast_in_dim3A_988 : f32 to vector<16xf32>
    %swap3A_990 = arith.constant 2640 : index
    %swap3A_991 = tpu.vector_load %arg6[%swap3A_990] {strides = array<i32>} : memref<3200xf32, #tpu.memory_space<vmem>>, vector<16xf32>,
    %swap3A_992 = vector.shape_cast %swap3A_991 : vector<16xf32> to vector<16xf32>
    %swap3A_993 = vector.shape_cast %broadcast_in_dim3A_989 : vector<16xf32> to vector<16xf32>
    tpu.vector_store %arg6[%swap3A_990], %swap3A_993 {strides = array<i32>} : memref<3200xf32, #tpu.memory_space<vmem>>, vector<16xf32>,
    %broadcast_in_dim3A_994 = arith.constant 1.000000e+00 : f32
    %broadcast_in_dim3A_995 = vector.broadcast %broadcast_in_dim3A_994 : f32 to vector<16xf32>
    %swap3A_996 = arith.constant 2656 : index
    %swap3A_997 = tpu.vector_load %arg6[%swap3A_996] {strides = array<i32>} : memref<3200xf32, #tpu.memory_space<vmem>>, vector<16xf32>,
    %swap3A_998 = vector.shape_cast %swap3A_997 : vector<16xf32> to vector<16xf32>
    %swap3A_999 = vector.shape_cast %broadcast_in_dim3A_995 : vector<16xf32> to vector<16xf32>
    tpu.vector_store %arg6[%swap3A_996], %swap3A_999 {strides = array<i32>} : memref<3200xf32, #tpu.memory_space<vmem>>, vector<16xf32>,
    %broadcast_in_dim3A_1000 = arith.constant 1.000000e+00 : f32
    %broadcast_in_dim3A_1001 = vector.broadcast %broadcast_in_dim3A_1000 : f32 to vector<16xf32>
    %swap3A_1002 = arith.constant 2672 : index
    %swap3A_1003 = tpu.vector_load %arg6[%swap3A_1002] {strides = array<i32>} : memref<3200xf32, #tpu.memory_space<vmem>>, vector<16xf32>,
    %swap3A_1004 = vector.shape_cast %swap3A_1003 : vector<16xf32> to vector<16xf32>
    %swap3A_1005 = vector.shape_cast %broadcast_in_dim3A_1001 : vector<16xf32> to vector<16xf32>
    tpu.vector_store %arg6[%swap3A_1002], %swap3A_1005 {strides = array<i32>} : memref<3200xf32, #tpu.memory_space<vmem>>, vector<16xf32>,
    %broadcast_in_dim3A_1006 = arith.constant 1.000000e+00 : f32
    %broadcast_in_dim3A_1007 = vector.broadcast %broadcast_in_dim3A_1006 : f32 to vector<16xf32>
    %swap3A_1008 = arith.constant 2688 : index
    %swap3A_1009 = tpu.vector_load %arg6[%swap3A_1008] {strides = array<i32>} : memref<3200xf32, #tpu.memory_space<vmem>>, vector<16xf32>,
    %swap3A_1010 = vector.shape_cast %swap3A_1009 : vector<16xf32> to vector<16xf32>
    %swap3A_1011 = vector.shape_cast %broadcast_in_dim3A_1007 : vector<16xf32> to vector<16xf32>
    tpu.vector_store %arg6[%swap3A_1008], %swap3A_1011 {strides = array<i32>} : memref<3200xf32, #tpu.memory_space<vmem>>, vector<16xf32>,
    %broadcast_in_dim3A_1012 = arith.constant 1.000000e+00 : f32
    %broadcast_in_dim3A_1013 = vector.broadcast %broadcast_in_dim3A_1012 : f32 to vector<16xf32>
    %swap3A_1014 = arith.constant 2704 : index
    %swap3A_1015 = tpu.vector_load %arg6[%swap3A_1014] {strides = array<i32>} : memref<3200xf32, #tpu.memory_space<vmem>>, vector<16xf32>,
    %swap3A_1016 = vector.shape_cast %swap3A_1015 : vector<16xf32> to vector<16xf32>
    %swap3A_1017 = vector.shape_cast %broadcast_in_dim3A_1013 : vector<16xf32> to vector<16xf32>
    tpu.vector_store %arg6[%swap3A_1014], %swap3A_1017 {strides = array<i32>} : memref<3200xf32, #tpu.memory_space<vmem>>, vector<16xf32>,
    %broadcast_in_dim3A_1018 = arith.constant 1.000000e+00 : f32
    %broadcast_in_dim3A_1019 = vector.broadcast %broadcast_in_dim3A_1018 : f32 to vector<16xf32>
    %swap3A_1020 = arith.constant 2720 : index
    %swap3A_1021 = tpu.vector_load %arg6[%swap3A_1020] {strides = array<i32>} : memref<3200xf32, #tpu.memory_space<vmem>>, vector<16xf32>,
    %swap3A_1022 = vector.shape_cast %swap3A_1021 : vector<16xf32> to vector<16xf32>
    %swap3A_1023 = vector.shape_cast %broadcast_in_dim3A_1019 : vector<16xf32> to vector<16xf32>
    tpu.vector_store %arg6[%swap3A_1020], %swap3A_1023 {strides = array<i32>} : memref<3200xf32, #tpu.memory_space<vmem>>, vector<16xf32>,
    %broadcast_in_dim3A_1024 = arith.constant 1.000000e+00 : f32
    %broadcast_in_dim3A_1025 = vector.broadcast %broadcast_in_dim3A_1024 : f32 to vector<16xf32>
    %swap3A_1026 = arith.constant 2736 : index
    %swap3A_1027 = tpu.vector_load %arg6[%swap3A_1026] {strides = array<i32>} : memref<3200xf32, #tpu.memory_space<vmem>>, vector<16xf32>,
    %swap3A_1028 = vector.shape_cast %swap3A_1027 : vector<16xf32> to vector<16xf32>
    %swap3A_1029 = vector.shape_cast %broadcast_in_dim3A_1025 : vector<16xf32> to vector<16xf32>
    tpu.vector_store %arg6[%swap3A_1026], %swap3A_1029 {strides = array<i32>} : memref<3200xf32, #tpu.memory_space<vmem>>, vector<16xf32>,
    %broadcast_in_dim3A_1030 = arith.constant 1.000000e+00 : f32
    %broadcast_in_dim3A_1031 = vector.broadcast %broadcast_in_dim3A_1030 : f32 to vector<16xf32>
    %swap3A_1032 = arith.constant 2752 : index
    %swap3A_1033 = tpu.vector_load %arg6[%swap3A_1032] {strides = array<i32>} : memref<3200xf32, #tpu.memory_space<vmem>>, vector<16xf32>,
    %swap3A_1034 = vector.shape_cast %swap3A_1033 : vector<16xf32> to vector<16xf32>
    %swap3A_1035 = vector.shape_cast %broadcast_in_dim3A_1031 : vector<16xf32> to vector<16xf32>
    tpu.vector_store %arg6[%swap3A_1032], %swap3A_1035 {strides = array<i32>} : memref<3200xf32, #tpu.memory_space<vmem>>, vector<16xf32>,
    %broadcast_in_dim3A_1036 = arith.constant 1.000000e+00 : f32
    %broadcast_in_dim3A_1037 = vector.broadcast %broadcast_in_dim3A_1036 : f32 to vector<16xf32>
    %swap3A_1038 = arith.constant 2768 : index
    %swap3A_1039 = tpu.vector_load %arg6[%swap3A_1038] {strides = array<i32>} : memref<3200xf32, #tpu.memory_space<vmem>>, vector<16xf32>,
    %swap3A_1040 = vector.shape_cast %swap3A_1039 : vector<16xf32> to vector<16xf32>
    %swap3A_1041 = vector.shape_cast %broadcast_in_dim3A_1037 : vector<16xf32> to vector<16xf32>
    tpu.vector_store %arg6[%swap3A_1038], %swap3A_1041 {strides = array<i32>} : memref<3200xf32, #tpu.memory_space<vmem>>, vector<16xf32>,
    %broadcast_in_dim3A_1042 = arith.constant 1.000000e+00 : f32
    %broadcast_in_dim3A_1043 = vector.broadcast %broadcast_in_dim3A_1042 : f32 to vector<16xf32>
    %swap3A_1044 = arith.constant 2784 : index
    %swap3A_1045 = tpu.vector_load %arg6[%swap3A_1044] {strides = array<i32>} : memref<3200xf32, #tpu.memory_space<vmem>>, vector<16xf32>,
    %swap3A_1046 = vector.shape_cast %swap3A_1045 : vector<16xf32> to vector<16xf32>
    %swap3A_1047 = vector.shape_cast %broadcast_in_dim3A_1043 : vector<16xf32> to vector<16xf32>
    tpu.vector_store %arg6[%swap3A_1044], %swap3A_1047 {strides = array<i32>} : memref<3200xf32, #tpu.memory_space<vmem>>, vector<16xf32>,
    %broadcast_in_dim3A_1048 = arith.constant 1.000000e+00 : f32
    %broadcast_in_dim3A_1049 = vector.broadcast %broadcast_in_dim3A_1048 : f32 to vector<16xf32>
    %swap3A_1050 = arith.constant 2800 : index
    %swap3A_1051 = tpu.vector_load %arg6[%swap3A_1050] {strides = array<i32>} : memref<3200xf32, #tpu.memory_space<vmem>>, vector<16xf32>,
    %swap3A_1052 = vector.shape_cast %swap3A_1051 : vector<16xf32> to vector<16xf32>
    %swap3A_1053 = vector.shape_cast %broadcast_in_dim3A_1049 : vector<16xf32> to vector<16xf32>
    tpu.vector_store %arg6[%swap3A_1050], %swap3A_1053 {strides = array<i32>} : memref<3200xf32, #tpu.memory_space<vmem>>, vector<16xf32>,
    %broadcast_in_dim3A_1054 = arith.constant 1.000000e+00 : f32
    %broadcast_in_dim3A_1055 = vector.broadcast %broadcast_in_dim3A_1054 : f32 to vector<16xf32>
    %swap3A_1056 = arith.constant 2816 : index
    %swap3A_1057 = tpu.vector_load %arg6[%swap3A_1056] {strides = array<i32>} : memref<3200xf32, #tpu.memory_space<vmem>>, vector<16xf32>,
    %swap3A_1058 = vector.shape_cast %swap3A_1057 : vector<16xf32> to vector<16xf32>
    %swap3A_1059 = vector.shape_cast %broadcast_in_dim3A_1055 : vector<16xf32> to vector<16xf32>
    tpu.vector_store %arg6[%swap3A_1056], %swap3A_1059 {strides = array<i32>} : memref<3200xf32, #tpu.memory_space<vmem>>, vector<16xf32>,
    %broadcast_in_dim3A_1060 = arith.constant 1.000000e+00 : f32
    %broadcast_in_dim3A_1061 = vector.broadcast %broadcast_in_dim3A_1060 : f32 to vector<16xf32>
    %swap3A_1062 = arith.constant 2832 : index
    %swap3A_1063 = tpu.vector_load %arg6[%swap3A_1062] {strides = array<i32>} : memref<3200xf32, #tpu.memory_space<vmem>>, vector<16xf32>,
    %swap3A_1064 = vector.shape_cast %swap3A_1063 : vector<16xf32> to vector<16xf32>
    %swap3A_1065 = vector.shape_cast %broadcast_in_dim3A_1061 : vector<16xf32> to vector<16xf32>
    tpu.vector_store %arg6[%swap3A_1062], %swap3A_1065 {strides = array<i32>} : memref<3200xf32, #tpu.memory_space<vmem>>, vector<16xf32>,
    %broadcast_in_dim3A_1066 = arith.constant 1.000000e+00 : f32
    %broadcast_in_dim3A_1067 = vector.broadcast %broadcast_in_dim3A_1066 : f32 to vector<16xf32>
    %swap3A_1068 = arith.constant 2848 : index
    %swap3A_1069 = tpu.vector_load %arg6[%swap3A_1068] {strides = array<i32>} : memref<3200xf32, #tpu.memory_space<vmem>>, vector<16xf32>,
    %swap3A_1070 = vector.shape_cast %swap3A_1069 : vector<16xf32> to vector<16xf32>
    %swap3A_1071 = vector.shape_cast %broadcast_in_dim3A_1067 : vector<16xf32> to vector<16xf32>
    tpu.vector_store %arg6[%swap3A_1068], %swap3A_1071 {strides = array<i32>} : memref<3200xf32, #tpu.memory_space<vmem>>, vector<16xf32>,
    %broadcast_in_dim3A_1072 = arith.constant 1.000000e+00 : f32
    %broadcast_in_dim3A_1073 = vector.broadcast %broadcast_in_dim3A_1072 : f32 to vector<16xf32>
    %swap3A_1074 = arith.constant 2864 : index
    %swap3A_1075 = tpu.vector_load %arg6[%swap3A_1074] {strides = array<i32>} : memref<3200xf32, #tpu.memory_space<vmem>>, vector<16xf32>,
    %swap3A_1076 = vector.shape_cast %swap3A_1075 : vector<16xf32> to vector<16xf32>
    %swap3A_1077 = vector.shape_cast %broadcast_in_dim3A_1073 : vector<16xf32> to vector<16xf32>
    tpu.vector_store %arg6[%swap3A_1074], %swap3A_1077 {strides = array<i32>} : memref<3200xf32, #tpu.memory_space<vmem>>, vector<16xf32>,
    %broadcast_in_dim3A_1078 = arith.constant 1.000000e+00 : f32
    %broadcast_in_dim3A_1079 = vector.broadcast %broadcast_in_dim3A_1078 : f32 to vector<16xf32>
    %swap3A_1080 = arith.constant 2880 : index
    %swap3A_1081 = tpu.vector_load %arg6[%swap3A_1080] {strides = array<i32>} : memref<3200xf32, #tpu.memory_space<vmem>>, vector<16xf32>,
    %swap3A_1082 = vector.shape_cast %swap3A_1081 : vector<16xf32> to vector<16xf32>
    %swap3A_1083 = vector.shape_cast %broadcast_in_dim3A_1079 : vector<16xf32> to vector<16xf32>
    tpu.vector_store %arg6[%swap3A_1080], %swap3A_1083 {strides = array<i32>} : memref<3200xf32, #tpu.memory_space<vmem>>, vector<16xf32>,
    %broadcast_in_dim3A_1084 = arith.constant 1.000000e+00 : f32
    %broadcast_in_dim3A_1085 = vector.broadcast %broadcast_in_dim3A_1084 : f32 to vector<16xf32>
    %swap3A_1086 = arith.constant 2896 : index
    %swap3A_1087 = tpu.vector_load %arg6[%swap3A_1086] {strides = array<i32>} : memref<3200xf32, #tpu.memory_space<vmem>>, vector<16xf32>,
    %swap3A_1088 = vector.shape_cast %swap3A_1087 : vector<16xf32> to vector<16xf32>
    %swap3A_1089 = vector.shape_cast %broadcast_in_dim3A_1085 : vector<16xf32> to vector<16xf32>
    tpu.vector_store %arg6[%swap3A_1086], %swap3A_1089 {strides = array<i32>} : memref<3200xf32, #tpu.memory_space<vmem>>, vector<16xf32>,
    %broadcast_in_dim3A_1090 = arith.constant 1.000000e+00 : f32
    %broadcast_in_dim3A_1091 = vector.broadcast %broadcast_in_dim3A_1090 : f32 to vector<16xf32>
    %swap3A_1092 = arith.constant 2912 : index
    %swap3A_1093 = tpu.vector_load %arg6[%swap3A_1092] {strides = array<i32>} : memref<3200xf32, #tpu.memory_space<vmem>>, vector<16xf32>,
    %swap3A_1094 = vector.shape_cast %swap3A_1093 : vector<16xf32> to vector<16xf32>
    %swap3A_1095 = vector.shape_cast %broadcast_in_dim3A_1091 : vector<16xf32> to vector<16xf32>
    tpu.vector_store %arg6[%swap3A_1092], %swap3A_1095 {strides = array<i32>} : memref<3200xf32, #tpu.memory_space<vmem>>, vector<16xf32>,
    %broadcast_in_dim3A_1096 = arith.constant 1.000000e+00 : f32
    %broadcast_in_dim3A_1097 = vector.broadcast %broadcast_in_dim3A_1096 : f32 to vector<16xf32>
    %swap3A_1098 = arith.constant 2928 : index
    %swap3A_1099 = tpu.vector_load %arg6[%swap3A_1098] {strides = array<i32>} : memref<3200xf32, #tpu.memory_space<vmem>>, vector<16xf32>,
    %swap3A_1100 = vector.shape_cast %swap3A_1099 : vector<16xf32> to vector<16xf32>
    %swap3A_1101 = vector.shape_cast %broadcast_in_dim3A_1097 : vector<16xf32> to vector<16xf32>
    tpu.vector_store %arg6[%swap3A_1098], %swap3A_1101 {strides = array<i32>} : memref<3200xf32, #tpu.memory_space<vmem>>, vector<16xf32>,
    %broadcast_in_dim3A_1102 = arith.constant 1.000000e+00 : f32
    %broadcast_in_dim3A_1103 = vector.broadcast %broadcast_in_dim3A_1102 : f32 to vector<16xf32>
    %swap3A_1104 = arith.constant 2944 : index
    %swap3A_1105 = tpu.vector_load %arg6[%swap3A_1104] {strides = array<i32>} : memref<3200xf32, #tpu.memory_space<vmem>>, vector<16xf32>,
    %swap3A_1106 = vector.shape_cast %swap3A_1105 : vector<16xf32> to vector<16xf32>
    %swap3A_1107 = vector.shape_cast %broadcast_in_dim3A_1103 : vector<16xf32> to vector<16xf32>
    tpu.vector_store %arg6[%swap3A_1104], %swap3A_1107 {strides = array<i32>} : memref<3200xf32, #tpu.memory_space<vmem>>, vector<16xf32>,
    %broadcast_in_dim3A_1108 = arith.constant 1.000000e+00 : f32
    %broadcast_in_dim3A_1109 = vector.broadcast %broadcast_in_dim3A_1108 : f32 to vector<16xf32>
    %swap3A_1110 = arith.constant 2960 : index
    %swap3A_1111 = tpu.vector_load %arg6[%swap3A_1110] {strides = array<i32>} : memref<3200xf32, #tpu.memory_space<vmem>>, vector<16xf32>,
    %swap3A_1112 = vector.shape_cast %swap3A_1111 : vector<16xf32> to vector<16xf32>
    %swap3A_1113 = vector.shape_cast %broadcast_in_dim3A_1109 : vector<16xf32> to vector<16xf32>
    tpu.vector_store %arg6[%swap3A_1110], %swap3A_1113 {strides = array<i32>} : memref<3200xf32, #tpu.memory_space<vmem>>, vector<16xf32>,
    %broadcast_in_dim3A_1114 = arith.constant 1.000000e+00 : f32
    %broadcast_in_dim3A_1115 = vector.broadcast %broadcast_in_dim3A_1114 : f32 to vector<16xf32>
    %swap3A_1116 = arith.constant 2976 : index
    %swap3A_1117 = tpu.vector_load %arg6[%swap3A_1116] {strides = array<i32>} : memref<3200xf32, #tpu.memory_space<vmem>>, vector<16xf32>,
    %swap3A_1118 = vector.shape_cast %swap3A_1117 : vector<16xf32> to vector<16xf32>
    %swap3A_1119 = vector.shape_cast %broadcast_in_dim3A_1115 : vector<16xf32> to vector<16xf32>
    tpu.vector_store %arg6[%swap3A_1116], %swap3A_1119 {strides = array<i32>} : memref<3200xf32, #tpu.memory_space<vmem>>, vector<16xf32>,
    %broadcast_in_dim3A_1120 = arith.constant 1.000000e+00 : f32
    %broadcast_in_dim3A_1121 = vector.broadcast %broadcast_in_dim3A_1120 : f32 to vector<16xf32>
    %swap3A_1122 = arith.constant 2992 : index
    %swap3A_1123 = tpu.vector_load %arg6[%swap3A_1122] {strides = array<i32>} : memref<3200xf32, #tpu.memory_space<vmem>>, vector<16xf32>,
    %swap3A_1124 = vector.shape_cast %swap3A_1123 : vector<16xf32> to vector<16xf32>
    %swap3A_1125 = vector.shape_cast %broadcast_in_dim3A_1121 : vector<16xf32> to vector<16xf32>
    tpu.vector_store %arg6[%swap3A_1122], %swap3A_1125 {strides = array<i32>} : memref<3200xf32, #tpu.memory_space<vmem>>, vector<16xf32>,
    %broadcast_in_dim3A_1126 = arith.constant 1.000000e+00 : f32
    %broadcast_in_dim3A_1127 = vector.broadcast %broadcast_in_dim3A_1126 : f32 to vector<16xf32>
    %swap3A_1128 = arith.constant 3008 : index
    %swap3A_1129 = tpu.vector_load %arg6[%swap3A_1128] {strides = array<i32>} : memref<3200xf32, #tpu.memory_space<vmem>>, vector<16xf32>,
    %swap3A_1130 = vector.shape_cast %swap3A_1129 : vector<16xf32> to vector<16xf32>
    %swap3A_1131 = vector.shape_cast %broadcast_in_dim3A_1127 : vector<16xf32> to vector<16xf32>
    tpu.vector_store %arg6[%swap3A_1128], %swap3A_1131 {strides = array<i32>} : memref<3200xf32, #tpu.memory_space<vmem>>, vector<16xf32>,
    %broadcast_in_dim3A_1132 = arith.constant 1.000000e+00 : f32
    %broadcast_in_dim3A_1133 = vector.broadcast %broadcast_in_dim3A_1132 : f32 to vector<16xf32>
    %swap3A_1134 = arith.constant 3024 : index
    %swap3A_1135 = tpu.vector_load %arg6[%swap3A_1134] {strides = array<i32>} : memref<3200xf32, #tpu.memory_space<vmem>>, vector<16xf32>,
    %swap3A_1136 = vector.shape_cast %swap3A_1135 : vector<16xf32> to vector<16xf32>
    %swap3A_1137 = vector.shape_cast %broadcast_in_dim3A_1133 : vector<16xf32> to vector<16xf32>
    tpu.vector_store %arg6[%swap3A_1134], %swap3A_1137 {strides = array<i32>} : memref<3200xf32, #tpu.memory_space<vmem>>, vector<16xf32>,
    %broadcast_in_dim3A_1138 = arith.constant 1.000000e+00 : f32
    %broadcast_in_dim3A_1139 = vector.broadcast %broadcast_in_dim3A_1138 : f32 to vector<16xf32>
    %swap3A_1140 = arith.constant 3040 : index
    %swap3A_1141 = tpu.vector_load %arg6[%swap3A_1140] {strides = array<i32>} : memref<3200xf32, #tpu.memory_space<vmem>>, vector<16xf32>,
    %swap3A_1142 = vector.shape_cast %swap3A_1141 : vector<16xf32> to vector<16xf32>
    %swap3A_1143 = vector.shape_cast %broadcast_in_dim3A_1139 : vector<16xf32> to vector<16xf32>
    tpu.vector_store %arg6[%swap3A_1140], %swap3A_1143 {strides = array<i32>} : memref<3200xf32, #tpu.memory_space<vmem>>, vector<16xf32>,
    %broadcast_in_dim3A_1144 = arith.constant 1.000000e+00 : f32
    %broadcast_in_dim3A_1145 = vector.broadcast %broadcast_in_dim3A_1144 : f32 to vector<16xf32>
    %swap3A_1146 = arith.constant 3056 : index
    %swap3A_1147 = tpu.vector_load %arg6[%swap3A_1146] {strides = array<i32>} : memref<3200xf32, #tpu.memory_space<vmem>>, vector<16xf32>,
    %swap3A_1148 = vector.shape_cast %swap3A_1147 : vector<16xf32> to vector<16xf32>
    %swap3A_1149 = vector.shape_cast %broadcast_in_dim3A_1145 : vector<16xf32> to vector<16xf32>
    tpu.vector_store %arg6[%swap3A_1146], %swap3A_1149 {strides = array<i32>} : memref<3200xf32, #tpu.memory_space<vmem>>, vector<16xf32>,
    %broadcast_in_dim3A_1150 = arith.constant 1.000000e+00 : f32
    %broadcast_in_dim3A_1151 = vector.broadcast %broadcast_in_dim3A_1150 : f32 to vector<16xf32>
    %swap3A_1152 = arith.constant 3072 : index
    %swap3A_1153 = tpu.vector_load %arg6[%swap3A_1152] {strides = array<i32>} : memref<3200xf32, #tpu.memory_space<vmem>>, vector<16xf32>,
    %swap3A_1154 = vector.shape_cast %swap3A_1153 : vector<16xf32> to vector<16xf32>
    %swap3A_1155 = vector.shape_cast %broadcast_in_dim3A_1151 : vector<16xf32> to vector<16xf32>
    tpu.vector_store %arg6[%swap3A_1152], %swap3A_1155 {strides = array<i32>} : memref<3200xf32, #tpu.memory_space<vmem>>, vector<16xf32>,
    %broadcast_in_dim3A_1156 = arith.constant 1.000000e+00 : f32
    %broadcast_in_dim3A_1157 = vector.broadcast %broadcast_in_dim3A_1156 : f32 to vector<16xf32>
    %swap3A_1158 = arith.constant 3088 : index
    %swap3A_1159 = tpu.vector_load %arg6[%swap3A_1158] {strides = array<i32>} : memref<3200xf32, #tpu.memory_space<vmem>>, vector<16xf32>,
    %swap3A_1160 = vector.shape_cast %swap3A_1159 : vector<16xf32> to vector<16xf32>
    %swap3A_1161 = vector.shape_cast %broadcast_in_dim3A_1157 : vector<16xf32> to vector<16xf32>
    tpu.vector_store %arg6[%swap3A_1158], %swap3A_1161 {strides = array<i32>} : memref<3200xf32, #tpu.memory_space<vmem>>, vector<16xf32>,
    %broadcast_in_dim3A_1162 = arith.constant 1.000000e+00 : f32
    %broadcast_in_dim3A_1163 = vector.broadcast %broadcast_in_dim3A_1162 : f32 to vector<16xf32>
    %swap3A_1164 = arith.constant 3104 : index
    %swap3A_1165 = tpu.vector_load %arg6[%swap3A_1164] {strides = array<i32>} : memref<3200xf32, #tpu.memory_space<vmem>>, vector<16xf32>,
    %swap3A_1166 = vector.shape_cast %swap3A_1165 : vector<16xf32> to vector<16xf32>
    %swap3A_1167 = vector.shape_cast %broadcast_in_dim3A_1163 : vector<16xf32> to vector<16xf32>
    tpu.vector_store %arg6[%swap3A_1164], %swap3A_1167 {strides = array<i32>} : memref<3200xf32, #tpu.memory_space<vmem>>, vector<16xf32>,
    %broadcast_in_dim3A_1168 = arith.constant 1.000000e+00 : f32
    %broadcast_in_dim3A_1169 = vector.broadcast %broadcast_in_dim3A_1168 : f32 to vector<16xf32>
    %swap3A_1170 = arith.constant 3120 : index
    %swap3A_1171 = tpu.vector_load %arg6[%swap3A_1170] {strides = array<i32>} : memref<3200xf32, #tpu.memory_space<vmem>>, vector<16xf32>,
    %swap3A_1172 = vector.shape_cast %swap3A_1171 : vector<16xf32> to vector<16xf32>
    %swap3A_1173 = vector.shape_cast %broadcast_in_dim3A_1169 : vector<16xf32> to vector<16xf32>
    tpu.vector_store %arg6[%swap3A_1170], %swap3A_1173 {strides = array<i32>} : memref<3200xf32, #tpu.memory_space<vmem>>, vector<16xf32>,
    %broadcast_in_dim3A_1174 = arith.constant 1.000000e+00 : f32
    %broadcast_in_dim3A_1175 = vector.broadcast %broadcast_in_dim3A_1174 : f32 to vector<16xf32>
    %swap3A_1176 = arith.constant 3136 : index
    %swap3A_1177 = tpu.vector_load %arg6[%swap3A_1176] {strides = array<i32>} : memref<3200xf32, #tpu.memory_space<vmem>>, vector<16xf32>,
    %swap3A_1178 = vector.shape_cast %swap3A_1177 : vector<16xf32> to vector<16xf32>
    %swap3A_1179 = vector.shape_cast %broadcast_in_dim3A_1175 : vector<16xf32> to vector<16xf32>
    tpu.vector_store %arg6[%swap3A_1176], %swap3A_1179 {strides = array<i32>} : memref<3200xf32, #tpu.memory_space<vmem>>, vector<16xf32>,
    %broadcast_in_dim3A_1180 = arith.constant 1.000000e+00 : f32
    %broadcast_in_dim3A_1181 = vector.broadcast %broadcast_in_dim3A_1180 : f32 to vector<16xf32>
    %swap3A_1182 = arith.constant 3152 : index
    %swap3A_1183 = tpu.vector_load %arg6[%swap3A_1182] {strides = array<i32>} : memref<3200xf32, #tpu.memory_space<vmem>>, vector<16xf32>,
    %swap3A_1184 = vector.shape_cast %swap3A_1183 : vector<16xf32> to vector<16xf32>
    %swap3A_1185 = vector.shape_cast %broadcast_in_dim3A_1181 : vector<16xf32> to vector<16xf32>
    tpu.vector_store %arg6[%swap3A_1182], %swap3A_1185 {strides = array<i32>} : memref<3200xf32, #tpu.memory_space<vmem>>, vector<16xf32>,
    %broadcast_in_dim3A_1186 = arith.constant 1.000000e+00 : f32
    %broadcast_in_dim3A_1187 = vector.broadcast %broadcast_in_dim3A_1186 : f32 to vector<16xf32>
    %swap3A_1188 = arith.constant 3168 : index
    %swap3A_1189 = tpu.vector_load %arg6[%swap3A_1188] {strides = array<i32>} : memref<3200xf32, #tpu.memory_space<vmem>>, vector<16xf32>,
    %swap3A_1190 = vector.shape_cast %swap3A_1189 : vector<16xf32> to vector<16xf32>
    %swap3A_1191 = vector.shape_cast %broadcast_in_dim3A_1187 : vector<16xf32> to vector<16xf32>
    tpu.vector_store %arg6[%swap3A_1188], %swap3A_1191 {strides = array<i32>} : memref<3200xf32, #tpu.memory_space<vmem>>, vector<16xf32>,
    %broadcast_in_dim3A_1192 = arith.constant 1.000000e+00 : f32
    %broadcast_in_dim3A_1193 = vector.broadcast %broadcast_in_dim3A_1192 : f32 to vector<16xf32>
    %swap3A_1194 = arith.constant 3184 : index
    %swap3A_1195 = tpu.vector_load %arg6[%swap3A_1194] {strides = array<i32>} : memref<3200xf32, #tpu.memory_space<vmem>>, vector<16xf32>,
    %swap3A_1196 = vector.shape_cast %swap3A_1195 : vector<16xf32> to vector<16xf32>
    %swap3A_1197 = vector.shape_cast %broadcast_in_dim3A_1193 : vector<16xf32> to vector<16xf32>
    tpu.vector_store %arg6[%swap3A_1194], %swap3A_1197 {strides = array<i32>} : memref<3200xf32, #tpu.memory_space<vmem>>, vector<16xf32>,
    %mul3A = arith.constant 6400 : i32
    %mul3A_1198 = arith.muli %arg1, %mul3A : i32
    %dma_start3A = tpu.memref_slice %arg4[%mul3A_1198] : memref<102400xf32, #tpu.memory_space<hbm>> -> memref<6400xf32, #tpu.memory_space<hbm>>
    tpu.enqueue_dma source(%arg3 : memref<6400xf32, #tpu.memory_space<hbm>>) target(%dma_start3A : memref<6400xf32, #tpu.memory_space<hbm>>) target_semaphore(%arg7 : memref<!tpu.dma_semaphore, #tpu.memory_space<semaphore_mem>>)
    %dma_start3A_1199 = arith.constant 0 : i32
    %dma_start3A_1200 = tpu.memref_slice %arg2[%arg1, %dma_start3A_1199] : memref<16x3200xi32, #tpu.memory_space<hbm>> -> memref<1x3200xi32, #tpu.memory_space<hbm>>
    %dma_start3A_1201 = tpu.memref_squeeze %dma_start3A_1200 : memref<1x3200xi32, #tpu.memory_space<hbm>> -> memref<3200xi32, #tpu.memory_space<hbm>>
    %dma_start3A_1202 = arith.constant 0 : i32
    %dma_start3A_1203 = tpu.memref_slice %arg2[%arg1, %dma_start3A_1202] : memref<16x3200xi32, #tpu.memory_space<hbm>> -> memref<1x3200xi32, #tpu.memory_space<hbm>>
    %dma_start3A_1204 = tpu.memref_squeeze %dma_start3A_1203 : memref<1x3200xi32, #tpu.memory_space<hbm>> -> memref<3200xi32, #tpu.memory_space<hbm>>
    tpu.enqueue_dma source(%dma_start3A_1204 : memref<3200xi32, #tpu.memory_space<hbm>>) target(%arg5 : memref<3200xi32, #tpu.memory_space<vmem>>) target_semaphore(%arg7 : memref<!tpu.dma_semaphore, #tpu.memory_space<semaphore_mem>>)
    %dma_wait3A = tpu.memref_slice %arg4[%mul3A_1198] : memref<102400xf32, #tpu.memory_space<hbm>> -> memref<6400xf32, #tpu.memory_space<hbm>>
    tpu.wait_dma2 semaphore(%arg7 : memref<!tpu.dma_semaphore, #tpu.memory_space<semaphore_mem>>) src(%arg3 : memref<6400xf32, #tpu.memory_space<hbm>>) dst(%dma_wait3A : memref<6400xf32, #tpu.memory_space<hbm>>)
    %dma_wait3A_1205 = arith.constant 0 : i32
    %dma_wait3A_1206 = tpu.memref_slice %arg2[%arg1, %dma_wait3A_1205] : memref<16x3200xi32, #tpu.memory_space<hbm>> -> memref<1x3200xi32, #tpu.memory_space<hbm>>
    %dma_wait3A_1207 = tpu.memref_squeeze %dma_wait3A_1206 : memref<1x3200xi32, #tpu.memory_space<hbm>> -> memref<3200xi32, #tpu.memory_space<hbm>>
    %dma_wait3A_1208 = arith.constant 0 : i32
    %dma_wait3A_1209 = tpu.memref_slice %arg2[%arg1, %dma_wait3A_1208] : memref<16x3200xi32, #tpu.memory_space<hbm>> -> memref<1x3200xi32, #tpu.memory_space<hbm>>
    %dma_wait3A_1210 = tpu.memref_squeeze %dma_wait3A_1209 : memref<1x3200xi32, #tpu.memory_space<hbm>> -> memref<3200xi32, #tpu.memory_space<hbm>>
    tpu.wait_dma2 semaphore(%arg7 : memref<!tpu.dma_semaphore, #tpu.memory_space<semaphore_mem>>) src(%dma_wait3A_1210 : memref<3200xi32, #tpu.memory_space<hbm>>) dst(%arg5 : memref<3200xi32, #tpu.memory_space<vmem>>)
    %barrier3A = arith.constant 0 : index
    tpu.barrier barrier_id(%barrier3A)
    %dma_start3A_1211 = arith.constant 0 : i32
    %dma_start3A_1212 = tpu.memref_slice %arg4[%dma_start3A_1211] : memref<102400xf32, #tpu.memory_space<hbm>> -> memref<102400xf32, #tpu.memory_space<hbm>>
    tpu.enqueue_indirect_dma source(%arg6 : memref<3200xf32, #tpu.memory_space<vmem>>) target(%dma_start3A_1212 : memref<102400xf32, #tpu.memory_space<hbm>>) offsets(%arg5 : memref<3200xi32, #tpu.memory_space<vmem>>) semaphore(%arg7 : memref<!tpu.dma_semaphore, #tpu.memory_space<semaphore_mem>>)
    %dma_wait3A_1213 = arith.constant 0 : i32
    %dma_wait3A_1214 = tpu.memref_slice %arg4[%dma_wait3A_1213] : memref<102400xf32, #tpu.memory_space<hbm>> -> memref<102400xf32, #tpu.memory_space<hbm>>
    tpu.wait_indirect_dma semaphore(%arg7 : memref<!tpu.dma_semaphore, #tpu.memory_space<semaphore_mem>>) src(%arg6 : memref<3200xf32, #tpu.memory_space<vmem>>) dst(%dma_wait3A_1214 : memref<102400xf32, #tpu.memory_space<hbm>>)
    return
  }
}

module attributes {stable_mosaic.version = 14 : i64} {
  func.func @_update_tc_kernel(%arg0: i32, %arg1: memref<4000x128xf32, #tpu.memory_space<vmem>>, %arg2: memref<128x128xf32, #tpu.memory_space<vmem>>, %arg3: memref<1x128xf32, #tpu.memory_space<vmem>>, %arg4: memref<4000x1xf32, #tpu.memory_space<vmem>>, %arg5: memref<4000x128xf32, #tpu.memory_space<vmem>>) attributes {dimension_semantics = [#tpu.dimension_semantics<arbitrary>], iteration_bounds = array<i64: 25>, scalar_prefetch = 0 : i64, scratch_operands = 0 : i64, tpu.core_type = #tpu.core_type<tc>, window_params = [{transform_indices = @transform_0, window_bounds = array<i64: 4000, 128>}, {pipeline_mode = #tpu.pipeline_mode<synchronous>, transform_indices = @transform_1, window_bounds = array<i64: 128, 128>}, {pipeline_mode = #tpu.pipeline_mode<synchronous>, transform_indices = @transform_2, window_bounds = array<i64: 1, 128>}, {transform_indices = @transform_3, window_bounds = array<i64: 4000, 1>}, {transform_indices = @transform_4, window_bounds = array<i64: 4000, 128>}]} {
    %get3A = arith.constant 0 : index
    %get3A_0 = arith.constant 0 : index
    %get3A_1 = vector.load %arg1[%get3A, %get3A_0] : memref<4000x128xf32, #tpu.memory_space<vmem>>, vector<4000x128xf32>
    %get3A_2 = arith.constant 0 : index
    %get3A_3 = arith.constant 0 : index
    %get3A_4 = vector.load %arg2[%get3A_2, %get3A_3] : memref<128x128xf32, #tpu.memory_space<vmem>>, vector<128x128xf32>
    %dot_general3A = arith.constant dense<0.000000e+00> : vector<4000x128xf32>
    %dot_general3A_5 = tpu.matmul %get3A_1, %get3A_4, %dot_general3A {dimension_numbers = #tpu.dot_dimension_numbers<[1], [1], [0], [0], [0, 0, 1, 0], [], []>, transpose_lhs_hint = false} : vector<4000x128xf32>, vector<128x128xf32>, vector<4000x128xf32> -> vector<4000x128xf32>
    %get3A_6 = arith.constant 0 : index
    %get3A_7 = arith.constant 0 : index
    %get3A_8 = vector.load %arg3[%get3A_6, %get3A_7] : memref<1x128xf32, #tpu.memory_space<vmem>>, vector<1x128xf32>
    %add3A = vector.broadcast %get3A_8 : vector<1x128xf32> to vector<4000x128xf32>
    %add3A_9 = arith.addf %dot_general3A_5, %add3A : vector<4000x128xf32>
    %get3A_10 = arith.constant 0 : index
    %get3A_11 = arith.constant 0 : index
    %get3A_12 = vector.load %arg4[%get3A_10, %get3A_11] : memref<4000x1xf32, #tpu.memory_space<vmem>>, vector<4000x1xf32>
    %gt3A = arith.constant 0.000000e+00 : f32
    %gt3A_13 = vector.broadcast %gt3A : f32 to vector<4000x1xf32>
    %gt3A_14 = arith.cmpf ogt, %get3A_12, %gt3A_13 : vector<4000x1xf32>
    %broadcast_in_dim3A = vector.shape_cast %gt3A_14 : vector<4000x1xi1> to vector<4000x1xi1>
    %broadcast_in_dim3A_15 = vector.broadcast %broadcast_in_dim3A : vector<4000x1xi1> to vector<4000x128xi1>
    %select_n3A = arith.select %broadcast_in_dim3A_15, %add3A_9, %get3A_1 : vector<4000x128xi1>, vector<4000x128xf32>
    %swap3A = arith.constant 0 : index
    %swap3A_16 = arith.constant 0 : index
    %swap3A_17 = vector.load %arg5[%swap3A, %swap3A_16] : memref<4000x128xf32, #tpu.memory_space<vmem>>, vector<4000x128xf32>
    tpu.vector_store %arg5[%swap3A, %swap3A_16], %select_n3A {strides = array<i32>} : memref<4000x128xf32, #tpu.memory_space<vmem>>, vector<4000x128xf32>,
    return
  }
  func.func @transform_0(%arg0: i32) -> (i32, i32) {
    %c0_i32 = arith.constant 0 : i32
    %c0_i32_0 = arith.constant 0 : i32
    return %arg0, %c0_i32 : i32, i32
  }
  func.func @transform_1(%arg0: i32) -> (i32, i32) {
    %c0_i32 = arith.constant 0 : i32
    %c0_i32_0 = arith.constant 0 : i32
    %c0_i32_1 = arith.constant 0 : i32
    return %c0_i32, %c0_i32_0 : i32, i32
  }
  func.func @transform_2(%arg0: i32) -> (i32, i32) {
    %c0_i32 = arith.constant 0 : i32
    %c0_i32_0 = arith.constant 0 : i32
    %c0_i32_1 = arith.constant 0 : i32
    return %c0_i32, %c0_i32_0 : i32, i32
  }
  func.func @transform_3(%arg0: i32) -> (i32, i32) {
    %c0_i32 = arith.constant 0 : i32
    %c0_i32_0 = arith.constant 0 : i32
    return %arg0, %c0_i32 : i32, i32
  }
  func.func @transform_4(%arg0: i32) -> (i32, i32) {
    %c0_i32 = arith.constant 0 : i32
    %c0_i32_0 = arith.constant 0 : i32
    return %arg0, %c0_i32 : i32, i32
  }
}

</mosaic_0001>

<sc_bundles>
// kernel: kernel.4.cloned.1.call-start
scs
__scs_entry_jumppad:
0x0: {  	(pc) =	sbr.rel $0x88, $3  }
0x1: {  	(tag) =	ssettag $0x0;
	lr =	simm.s32 $0x1  }
0x2: {  	[smem:$0x3F9D] =	sst lr;
	_ =	strace $0xD0000000  }
0x3: {  	_ = 	snop  }
0x4: {  	_ = 	snop  }
0x5: {  	_ = 	snop  }
0x6: {  	_ = 	snop  }
0x7: {  	_ = 	snop  }
__scs_overlays_trampoline_lowered:
0x8: {  	[smem:$0x3FAC] =	sst s0  }
0x9: {  	[smem:$0x3FAD] =	sst s1  }
0xa: {  	[smem:$0x3FAE] =	sst s2  }
0xb: {  	[smem:$0x3FAF] =	sst s3  }
0xc: {  	[smem:$0x3FB0] =	sst s4  }
0xd: {  	[smem:$0x3FB1] =	sst s5  }
0xe: {  	[smem:$0x3FB2] =	sst s6  }
0xf: {  	[smem:$0x3FB3] =	sst s7  }
0x10: {  	[smem:$0x3FB4] =	sst s8  }
0x11: {  	[smem:$0x3FB5] =	sst s9;
	s0 =	simm.s32 @!p0 $0x0  }
0x12: {  	s1 =	sld [smem:$0x3F9B];
	s0 =	simm.s32 @p0 $0x1  }
0x13: {  	[smem:$0x3FB6] =	sst s0;
	s0 =	simm.s32 @!p1 $0x0  }
0x14: {  	s2 =	sld [smem:$0x3F9A];
	s0 =	simm.s32 @p1 $0x1  }
0x15: {  	[smem:$0x3FB7] =	sst s0;
	s0 =	simm.s32 @!p2 $0x0  }
0x16: {  	s3 =	sld [smem:$0x3FDB];
	s0 =	simm.s32 @p2 $0x1  }
0x17: {  	s4 =	simm.s32 $0x1BF5;
	[smem:$0x3FB9] =	sst s0  }
0x18: {  	s0 =	sld [smem:$0x3F9C];
	_ =	swait.ge [sflag:s4], $0x0  }
0x19: {  	s7 =	sld [smem:$0x3F9D]  }
0x1a: {  	s8 =	sadd.s32 $0xFFFFE003, lr  }
0x1b: {  	s9 =	sadd.s32 $0xFFFFFEF7, lr;
	s5 =	simm.s32 $0xFFFFFFFF;
	p2 =	slt.u32 s8, $0xFFFFF086  }
0x1c: {  	p1 =	slt.u32 s9, $0xF7A;
	s5 =	simm.s32 @!p2 $0x0  }
0x1d: {  	s5 =	simm.s32 @p1 $0x1;
	p0 =	seq.s32 s7, s2  }
0x1e: {  	s7 =	smul.u32 @!p0 $0xF7A, s2;
	p2 =	seq.s32 @!p0 s5, $0x0  }
0x1f: {  	s9 =	smul.u32 $0xF7A, s1;
	s8 =	simm.s32 @!p0 $0x1BF5;
	p2 =	por !p2, p0  }
0x20: {  	[sflag:s8] =	ssyncset.s32 @!p0 $0xFFFFF086;
	s6 =	sadd.s32 @!p0 s3, s7;
	s7 =	simm.s32 @!p0 $0x108  }
0x21: {  	s3 =	sadd.s32 s3, s9;
	s6 =	sadd.s32 @!p0 $0x88, s6;
	s7 =	simm.s32 @p2 $0x1082  }
0x22: {  	[simem:s7], [sflag:s8] =	dma.local @!p0 [hbm:s6], $0xF7A  }
0x23: {  	s9 =	sor.u32 $0xD0000000, s2;
	s6 =	simm.s32 $0x108;
	_ =	swait.ge @!p0 [sflag:s8], $0x0  }
0x24: {  	s3 =	sadd.s32 $0x88, s3;
	s6 =	simm.s32 @!p1 $0x1082;
	[sflag:s4] =	ssyncset.s32 $0xFFFFF086  }
0x25: {  	[simem:s6], [sflag:s4] =	dma.local [hbm:s3], $0xF7A  }
0x26: {  	[smem:$0x3F9D] =	sst s1;
	(tag) =	ssettag s2;
	_ =	strace s9  }
0x27: {  	s1 =	sld [smem:$0x3FAD]  }
0x28: {  	s2 =	sld [smem:$0x3FAE]  }
0x29: {  	s4 =	sld [smem:$0x3FB0]  }
0x2a: {  	p0 =	seq.s32 s5, $0x0;
	s5 =	sld [smem:$0x3FB1]  }
0x2b: {  	s6 =	sld [smem:$0x3FB2]  }
0x2c: {  	s7 =	sld [smem:$0x3FB3]  }
0x2d: {  	s3 =	simm.s32 $0x108;
	s8 =	sld [smem:$0x3FB4]  }
0x2e: {  	s3 =	simm.s32 @!p0 $0x1082;
	s9 =	sld [smem:$0x3FB5]  }
0x2f: {  	lr =	sadd.s32 s0, s3;
	s0 =	sld [smem:$0x3FAC]  }
0x30: {  	s3 =	sld [smem:$0x3FAF]  }
0x31: {  	[smem:$0x3FB8] =	sst s10  }
0x32: {  	s10 =	sld [smem:$0x3FB6];
	_ =	sdelay $0x3  }
0x33: {  	p0 =	seq.s32 s10, $0x1;
	s10 =	sld [smem:$0x3FB8];
	_ =	sdelay $0x3  }
0x34: {  	[smem:$0x3FB8] =	sst s10  }
0x35: {  	s10 =	sld [smem:$0x3FB7];
	_ =	sdelay $0x3  }
0x36: {  	p1 =	seq.s32 s10, $0x1;
	s10 =	sld [smem:$0x3FB8];
	_ =	sdelay $0x3  }
0x37: {  	[smem:$0x3FB8] =	sst s10  }
0x38: {  	s10 =	sld [smem:$0x3FB9]  }
0x39: {  	_ = 	snop;
	(pc) =	sbr.ind lr, $3  }
0x3a: {  	_ = 	snop  }
0x3b: {  	_ = 	snop  }
0x3c: {  	p2 =	seq.s32 s10, $0x1;
	s10 =	sld [smem:$0x3FB8]  }
0x3d: {  	_ =	shalt  }
0x3e: {  	_ =	shalt  }
0x3f: {  	_ =	shalt  }
0x40: {  	_ =	shalt  }
0x41: {  	_ =	shalt  }
0x42: {  	_ =	shalt  }
0x43: {  	_ =	shalt  }
0x44: {  	_ =	shalt  }
0x45: {  	_ =	shalt  }
0x46: {  	_ =	shalt  }
0x47: {  	_ =	shalt  }
0x48: {  	_ =	shalt  }
0x49: {  	_ =	shalt  }
0x4a: {  	_ =	shalt  }
0x4b: {  	_ =	shalt  }
0x4c: {  	_ =	shalt  }
0x4d: {  	_ =	shalt  }
0x4e: {  	_ =	shalt  }
0x4f: {  	_ =	shalt  }
0x50: {  	_ =	shalt  }
0x51: {  	_ =	shalt  }
0x52: {  	_ =	shalt  }
0x53: {  	_ =	shalt  }
0x54: {  	_ =	shalt  }
0x55: {  	_ =	shalt  }
0x56: {  	_ =	shalt  }
0x57: {  	_ =	shalt  }
0x58: {  	_ =	shalt  }
0x59: {  	_ =	shalt  }
0x5a: {  	_ =	shalt  }
0x5b: {  	_ =	shalt  }
0x5c: {  	_ =	shalt  }
0x5d: {  	_ =	shalt  }
0x5e: {  	_ =	shalt  }
0x5f: {  	_ =	shalt  }
0x60: {  	_ =	shalt  }
0x61: {  	_ =	shalt  }
0x62: {  	_ =	shalt  }
0x63: {  	_ =	shalt  }
0x64: {  	_ =	shalt  }
0x65: {  	_ =	shalt  }
0x66: {  	_ =	shalt  }
0x67: {  	_ =	shalt  }
0x68: {  	_ =	shalt  }
0x69: {  	_ =	shalt  }
0x6a: {  	_ =	shalt  }
0x6b: {  	_ =	shalt  }
0x6c: {  	_ =	shalt  }
0x6d: {  	_ =	shalt  }
0x6e: {  	_ =	shalt  }
0x6f: {  	_ =	shalt  }
0x70: {  	_ =	shalt  }
0x71: {  	_ =	shalt  }
0x72: {  	_ =	shalt  }
0x73: {  	_ =	shalt  }
0x74: {  	_ =	shalt  }
0x75: {  	_ =	shalt  }
0x76: {  	_ =	shalt  }
0x77: {  	_ =	shalt  }
0x78: {  	_ =	shalt  }
0x79: {  	_ =	shalt  }
0x7a: {  	_ =	shalt  }
0x7b: {  	_ =	shalt  }
0x7c: {  	_ =	shalt  }
0x7d: {  	_ =	shalt  }
0x7e: {  	_ =	shalt  }
0x7f: {  	_ =	shalt  }
0x80: {  	_ =	shalt  }
0x81: {  	_ =	shalt  }
0x82: {  	_ =	shalt  }
0x83: {  	_ =	shalt  }
0x84: {  	_ =	shalt  }
0x85: {  	_ =	shalt  }
0x86: {  	_ =	shalt  }
0x87: {  	_ =	shalt  }
.Lfunc_end0:
.L_simem_size_0:
called_computation_lowered:
.L_overlay_start_0:
0x88: {  	s0 =	sld [smem:$0x3FD9]  }
0x89: {  	s1 =	sld [smem:$0x3FFE];
	_ =	sdelay $0x3  }
0x8a: {  	s0 =	sadd.s32 s1, s0  }
0x8b: {  	[smem:$0x3FC4] =	sst s0  }
0x8c: {  	_ = 	snop  }
0x8d: {  	s0 =	sld [smem:$0x3FD0];
	(tm) =	ssettm $0x1  }
0x8e: {  	s16 =	sld [smem:$0x3FFB];
	_ =	sdelay $0x3  }
0x8f: {  	_ =	strace s16  }
0x90: {  	s1 =	sld [smem:$0x3FFC];
	_ =	sdelay $0x3  }
0x91: {  	_ =	strace s1  }
0x92: {  	s1 =	sld [smem:$0x3FFD];
	_ =	sdelay $0x3  }
0x93: {  	_ =	strace s1  }
0x94: {  	_ =	strace $0x8FFFFFFF  }
0x95: {  	s17 =	sld [smem:$0x3FDB];
	_ =	sdelay $0x1  }
0x96: {  	s2 =	simm.s32 $_scs_section_size  }
0x97: {  	s3 =	simm.s32 $_size__tile_overlayer_lowered;
	s4 =	simm.s32 $_tile_overlayer_lowered  }
0x98: {  	s20 =	simm.s32 $0x1BFF;
	s19 =	sshll.u32 s4, $0x1;
	s1 =	sadd.s32 s2, s17  }
0x99: {  	s5 =	simm.s32 $0x0;
	s18 =	sshll.u32 s3, $0x1;
	s3 =	sadd.s32 s19, s1  }
0x9a: {  	[timem:s5], [sflag:s20] =	dma.local [hbm:s3], s18  }
0x9b: {  	_ =	swait.ge [sflag:s20], s18  }
0x9c: {  	s2 =	ssub.s32 $0x0, s18;
	[sflag:s20] =	ssyncset.done $0x0  }
0x9d: {  	[sflag:s20] =	ssyncadd.s32 s2;
	_ =	sdelay $0x1  }
0x9e: {  	s21 =	simm.s32 $0x1B8B  }
0x9f: {  	_ =	swait.ge [sflag:s21], $0x1  }
0xa0: {  	[sflag:s21] =	ssyncset.done $0x0  }
0xa1: {  	s23 =	simm.s32 $0x1B8E;
	s22 =	sld [smem:$0x3FFE];
	[sflag:s21] =	ssyncadd.s32 $0xFFFFFFFF  }
0xa2: {  	s24 =	simm.s32 $execute0_lowered;
	[smem:$0x3FD2] =	sst s23  }
0xa3: {  	s3 =	sshll.u32 s24, $0x1;
	_ =	strace $0x80000046;
	[dreg:$0x1] =	wrdreg $0xFFFFFFFF  }
0xa4: {  	s25 =	simm.s32 $_size_execute0_lowered;
	s1 =	sadd.s32 s1, s3;
	[dreg:$0x0] =	wrdreg $0x0  }
0xa5: {  	s3 =	sshll.u32 s25, $0x1;
	[dreg:$0x2] =	wrdreg s1  }
0xa6: {  	[dreg:$0x3] =	wrdreg s3  }
0xa7: {  	[dreg:$0x4] =	wrdreg $0xC0  }
0xa8: {  	_ =	task [dreg:s5], $0x5FFFF  }
0xa9: {  	[dreg:$0x1] =	wrdreg $0xFFFFFFFF  }
0xaa: {  	[dreg:$0x0] =	wrdreg $0x60  }
0xab: {  	[dreg:$0x2] =	wrdreg s22  }
0xac: {  	[dreg:$0x3] =	wrdreg s0  }
0xad: {  	[dreg:$0x4] =	wrdreg $0x9  }
0xae: {  	_ =	task.clear_ibuf [dreg:s5], $0x5FFFF;
	_ =	strace $0x90000046  }
0xaf: {  	s26 =	simm.s32 $0x9;
	_ =	strace $0x80000048  }
0xb0: {  	_ =	swait.ge [sflag:s26], $0x1  }
0xb1: {  	[sflag:s26] =	ssyncadd.s32 $0xFFFFFFFF  }
0xb2: {  	_ =	strace $0x90000048  }
0xb3: {  	_ =	sfence  }
0xb4: {  	s28 =	sld [smem:$0x0];
	_ =	sdelay $0x1  }
0xb5: {  	s29 =	srdreg.scid  }
0xb6: {  	s30 =	sshll.u32 s29, $0xD;
	s31 =	sshrl.u32 s29, $0x2  }
0xb7: {  	s2 =	sand.u32 $0x4000, s30;
	s1 =	sand.u32 $0x1, s29;
	s0 =	sadd.s32 s31, s28  }
0xb8: {  	s1 =	sor.u32 s2, s1;
	s0 =	sshll.u32 s0, $0x11  }
0xb9: {  	s0 =	sor.u32 s0, s1  }
0xba: {  	s0 =	sadd.s32 $0x8F2B, s0  }
0xbb: {  	[sflag:s0] =	ssyncadd.remote.s32 $0x1  }
0xbc: {  	_ =	sfence.sel $0xFFFF  }
0xbd: {  	[dreg:$0x0] =	wrdreg $0xFFFFFFFF;
	(pc) =	sbr.abs _section_cstart, $3  }
0xbe: {  	[dreg:$0x1] =	wrdreg $0xFFFFFFFF  }
0xbf: {  	_ =	task.clear_ibuf [dreg:s5], $0x2FFFF;
	_ =	strace $0x9FFFFFFF  }
0xc0: {  	(tm) =	ssettm $0x7FFFFFFF  }
0xc1: {  	_ =	shalt  }
tec
execute0_lowered:
.L_overlay_start_1:
0x0: {  	(tag) =	ssettag $0x1  }
0x1: {  	s3 =	rddreg [dreg:$0x0]  }
0x2: {  	s1 =	rddreg [dreg:$0x1];
	s2 =	simm.s32 $0x0  }
0x3: {  	v0 =	vimm.f32 $1.000000000e+00;
	[smem:$0x7FF] =	sst s2  }
0x4: {  	s0 =	rddreg [dreg:$0x2];
	_ =	strace $0x80000047;
	[tilespmem:$0xC80] =	vst v0  }
0x5: {  	[tilespmem:$0xC90] =	vst v0  }
0x6: {  	[tilespmem:$0xCA0] =	vst v0  }
0x7: {  	[tilespmem:$0xCB0] =	vst v0  }
0x8: {  	[tilespmem:$0xCC0] =	vst v0  }
0x9: {  	[tilespmem:$0xCD0] =	vst v0  }
0xa: {  	[tilespmem:$0xCE0] =	vst v0  }
0xb: {  	[tilespmem:$0xCF0] =	vst v0  }
0xc: {  	[tilespmem:$0xD00] =	vst v0  }
0xd: {  	[tilespmem:$0xD10] =	vst v0  }
0xe: {  	[tilespmem:$0xD20] =	vst v0  }
0xf: {  	[tilespmem:$0xD30] =	vst v0  }
0x10: {  	[tilespmem:$0xD40] =	vst v0  }
0x11: {  	[tilespmem:$0xD50] =	vst v0  }
0x12: {  	[tilespmem:$0xD60] =	vst v0  }
0x13: {  	[tilespmem:$0xD70] =	vst v0  }
0x14: {  	[tilespmem:$0xD80] =	vst v0  }
0x15: {  	[tilespmem:$0xD90] =	vst v0  }
0x16: {  	[tilespmem:$0xDA0] =	vst v0  }
0x17: {  	[tilespmem:$0xDB0] =	vst v0  }
0x18: {  	[tilespmem:$0xDC0] =	vst v0  }
0x19: {  	[tilespmem:$0xDD0] =	vst v0  }
0x1a: {  	[tilespmem:$0xDE0] =	vst v0  }
0x1b: {  	[tilespmem:$0xDF0] =	vst v0  }
0x1c: {  	[tilespmem:$0xE00] =	vst v0  }
0x1d: {  	[tilespmem:$0xE10] =	vst v0  }
0x1e: {  	[tilespmem:$0xE20] =	vst v0  }
0x1f: {  	[tilespmem:$0xE30] =	vst v0  }
0x20: {  	[tilespmem:$0xE40] =	vst v0  }
0x21: {  	[tilespmem:$0xE50] =	vst v0  }
0x22: {  	[tilespmem:$0xE60] =	vst v0  }
0x23: {  	[tilespmem:$0xE70] =	vst v0  }
0x24: {  	[tilespmem:$0xE80] =	vst v0  }
0x25: {  	[tilespmem:$0xE90] =	vst v0  }
0x26: {  	[tilespmem:$0xEA0] =	vst v0  }
0x27: {  	[tilespmem:$0xEB0] =	vst v0  }
0x28: {  	[tilespmem:$0xEC0] =	vst v0  }
0x29: {  	[tilespmem:$0xED0] =	vst v0  }
0x2a: {  	[tilespmem:$0xEE0] =	vst v0  }
0x2b: {  	[tilespmem:$0xEF0] =	vst v0  }
0x2c: {  	[tilespmem:$0xF00] =	vst v0  }
0x2d: {  	[tilespmem:$0xF10] =	vst v0  }
0x2e: {  	[tilespmem:$0xF20] =	vst v0  }
0x2f: {  	[tilespmem:$0xF30] =	vst v0  }
0x30: {  	[tilespmem:$0xF40] =	vst v0  }
0x31: {  	[tilespmem:$0xF50] =	vst v0  }
0x32: {  	[tilespmem:$0xF60] =	vst v0  }
0x33: {  	[tilespmem:$0xF70] =	vst v0  }
0x34: {  	[tilespmem:$0xF80] =	vst v0  }
0x35: {  	[tilespmem:$0xF90] =	vst v0  }
0x36: {  	[tilespmem:$0xFA0] =	vst v0  }
0x37: {  	[tilespmem:$0xFB0] =	vst v0  }
0x38: {  	[tilespmem:$0xFC0] =	vst v0  }
0x39: {  	[tilespmem:$0xFD0] =	vst v0  }
0x3a: {  	[tilespmem:$0xFE0] =	vst v0  }
0x3b: {  	[tilespmem:$0xFF0] =	vst v0  }
0x3c: {  	[tilespmem:$0x1000] =	vst v0  }
0x3d: {  	[tilespmem:$0x1010] =	vst v0  }
0x3e: {  	[tilespmem:$0x1020] =	vst v0  }
0x3f: {  	[tilespmem:$0x1030] =	vst v0  }
0x40: {  	[tilespmem:$0x1040] =	vst v0  }
0x41: {  	[tilespmem:$0x1050] =	vst v0  }
0x42: {  	[tilespmem:$0x1060] =	vst v0  }
0x43: {  	[tilespmem:$0x1070] =	vst v0  }
0x44: {  	[tilespmem:$0x1080] =	vst v0  }
0x45: {  	[tilespmem:$0x1090] =	vst v0  }
0x46: {  	[tilespmem:$0x10A0] =	vst v0  }
0x47: {  	[tilespmem:$0x10B0] =	vst v0  }
0x48: {  	[tilespmem:$0x10C0] =	vst v0  }
0x49: {  	[tilespmem:$0x10D0] =	vst v0  }
0x4a: {  	[tilespmem:$0x10E0] =	vst v0  }
0x4b: {  	[tilespmem:$0x10F0] =	vst v0  }
0x4c: {  	[tilespmem:$0x1100] =	vst v0  }
0x4d: {  	[tilespmem:$0x1110] =	vst v0  }
0x4e: {  	[tilespmem:$0x1120] =	vst v0  }
0x4f: {  	[tilespmem:$0x1130] =	vst v0  }
0x50: {  	[tilespmem:$0x1140] =	vst v0  }
0x51: {  	[tilespmem:$0x1150] =	vst v0  }
0x52: {  	[tilespmem:$0x1160] =	vst v0  }
0x53: {  	[tilespmem:$0x1170] =	vst v0  }
0x54: {  	[tilespmem:$0x1180] =	vst v0  }
0x55: {  	[tilespmem:$0x1190] =	vst v0  }
0x56: {  	[tilespmem:$0x11A0] =	vst v0  }
0x57: {  	[tilespmem:$0x11B0] =	vst v0  }
0x58: {  	[tilespmem:$0x11C0] =	vst v0  }
0x59: {  	[tilespmem:$0x11D0] =	vst v0  }
0x5a: {  	[tilespmem:$0x11E0] =	vst v0  }
0x5b: {  	[tilespmem:$0x11F0] =	vst v0  }
0x5c: {  	[tilespmem:$0x1200] =	vst v0  }
0x5d: {  	[tilespmem:$0x1210] =	vst v0  }
0x5e: {  	[tilespmem:$0x1220] =	vst v0  }
0x5f: {  	[tilespmem:$0x1230] =	vst v0  }
0x60: {  	[tilespmem:$0x1240] =	vst v0  }
0x61: {  	[tilespmem:$0x1250] =	vst v0  }
0x62: {  	[tilespmem:$0x1260] =	vst v0  }
0x63: {  	[tilespmem:$0x1270] =	vst v0  }
0x64: {  	[tilespmem:$0x1280] =	vst v0  }
0x65: {  	[tilespmem:$0x1290] =	vst v0  }
0x66: {  	[tilespmem:$0x12A0] =	vst v0  }
0x67: {  	[tilespmem:$0x12B0] =	vst v0  }
0x68: {  	[tilespmem:$0x12C0] =	vst v0  }
0x69: {  	[tilespmem:$0x12D0] =	vst v0  }
0x6a: {  	[tilespmem:$0x12E0] =	vst v0  }
0x6b: {  	[tilespmem:$0x12F0] =	vst v0  }
0x6c: {  	[tilespmem:$0x1300] =	vst v0  }
0x6d: {  	[tilespmem:$0x1310] =	vst v0  }
0x6e: {  	[tilespmem:$0x1320] =	vst v0  }
0x6f: {  	[tilespmem:$0x1330] =	vst v0  }
0x70: {  	[tilespmem:$0x1340] =	vst v0  }
0x71: {  	[tilespmem:$0x1350] =	vst v0  }
0x72: {  	[tilespmem:$0x1360] =	vst v0  }
0x73: {  	[tilespmem:$0x1370] =	vst v0  }
0x74: {  	[tilespmem:$0x1380] =	vst v0  }
0x75: {  	[tilespmem:$0x1390] =	vst v0  }
0x76: {  	[tilespmem:$0x13A0] =	vst v0  }
0x77: {  	[tilespmem:$0x13B0] =	vst v0  }
0x78: {  	[tilespmem:$0x13C0] =	vst v0  }
0x79: {  	[tilespmem:$0x13D0] =	vst v0  }
0x7a: {  	[tilespmem:$0x13E0] =	vst v0  }
0x7b: {  	[tilespmem:$0x13F0] =	vst v0  }
0x7c: {  	[tilespmem:$0x1400] =	vst v0  }
0x7d: {  	[tilespmem:$0x1410] =	vst v0  }
0x7e: {  	[tilespmem:$0x1420] =	vst v0  }
0x7f: {  	[tilespmem:$0x1430] =	vst v0  }
0x80: {  	[tilespmem:$0x1440] =	vst v0  }
0x81: {  	[tilespmem:$0x1450] =	vst v0  }
0x82: {  	[tilespmem:$0x1460] =	vst v0  }
0x83: {  	[tilespmem:$0x1470] =	vst v0  }
0x84: {  	[tilespmem:$0x1480] =	vst v0  }
0x85: {  	[tilespmem:$0x1490] =	vst v0  }
0x86: {  	[tilespmem:$0x14A0] =	vst v0  }
0x87: {  	[tilespmem:$0x14B0] =	vst v0  }
0x88: {  	[tilespmem:$0x14C0] =	vst v0  }
0x89: {  	[tilespmem:$0x14D0] =	vst v0  }
0x8a: {  	[tilespmem:$0x14E0] =	vst v0  }
0x8b: {  	[tilespmem:$0x14F0] =	vst v0  }
0x8c: {  	[tilespmem:$0x1500] =	vst v0  }
0x8d: {  	[tilespmem:$0x1510] =	vst v0  }
0x8e: {  	[tilespmem:$0x1520] =	vst v0  }
0x8f: {  	[tilespmem:$0x1530] =	vst v0  }
0x90: {  	[tilespmem:$0x1540] =	vst v0  }
0x91: {  	[tilespmem:$0x1550] =	vst v0  }
0x92: {  	[tilespmem:$0x1560] =	vst v0  }
0x93: {  	[tilespmem:$0x1570] =	vst v0  }
0x94: {  	[tilespmem:$0x1580] =	vst v0  }
0x95: {  	[tilespmem:$0x1590] =	vst v0  }
0x96: {  	[tilespmem:$0x15A0] =	vst v0  }
0x97: {  	[tilespmem:$0x15B0] =	vst v0  }
0x98: {  	[tilespmem:$0x15C0] =	vst v0  }
0x99: {  	[tilespmem:$0x15D0] =	vst v0  }
0x9a: {  	[tilespmem:$0x15E0] =	vst v0  }
0x9b: {  	[tilespmem:$0x15F0] =	vst v0  }
0x9c: {  	[tilespmem:$0x1600] =	vst v0  }
0x9d: {  	[tilespmem:$0x1610] =	vst v0  }
0x9e: {  	[tilespmem:$0x1620] =	vst v0  }
0x9f: {  	[tilespmem:$0x1630] =	vst v0  }
0xa0: {  	[tilespmem:$0x1640] =	vst v0  }
0xa1: {  	[tilespmem:$0x1650] =	vst v0  }
0xa2: {  	[tilespmem:$0x1660] =	vst v0  }
0xa3: {  	[tilespmem:$0x1670] =	vst v0  }
0xa4: {  	[tilespmem:$0x1680] =	vst v0  }
0xa5: {  	[tilespmem:$0x1690] =	vst v0  }
0xa6: {  	[tilespmem:$0x16A0] =	vst v0  }
0xa7: {  	[tilespmem:$0x16B0] =	vst v0  }
0xa8: {  	[tilespmem:$0x16C0] =	vst v0  }
0xa9: {  	[tilespmem:$0x16D0] =	vst v0  }
0xaa: {  	[tilespmem:$0x16E0] =	vst v0  }
0xab: {  	[tilespmem:$0x16F0] =	vst v0  }
0xac: {  	[tilespmem:$0x1700] =	vst v0  }
0xad: {  	[tilespmem:$0x1710] =	vst v0  }
0xae: {  	[tilespmem:$0x1720] =	vst v0  }
0xaf: {  	[tilespmem:$0x1730] =	vst v0  }
0xb0: {  	[tilespmem:$0x1740] =	vst v0  }
0xb1: {  	[tilespmem:$0x1750] =	vst v0  }
0xb2: {  	[tilespmem:$0x1760] =	vst v0  }
0xb3: {  	[tilespmem:$0x1770] =	vst v0  }
0xb4: {  	[tilespmem:$0x1780] =	vst v0  }
0xb5: {  	[tilespmem:$0x1790] =	vst v0  }
0xb6: {  	[tilespmem:$0x17A0] =	vst v0  }
0xb7: {  	[tilespmem:$0x17B0] =	vst v0  }
0xb8: {  	[tilespmem:$0x17C0] =	vst v0  }
0xb9: {  	[tilespmem:$0x17D0] =	vst v0  }
0xba: {  	[tilespmem:$0x17E0] =	vst v0  }
0xbb: {  	[tilespmem:$0x17F0] =	vst v0  }
0xbc: {  	[tilespmem:$0x1800] =	vst v0  }
0xbd: {  	[tilespmem:$0x1810] =	vst v0  }
0xbe: {  	[tilespmem:$0x1820] =	vst v0  }
0xbf: {  	[tilespmem:$0x1830] =	vst v0  }
0xc0: {  	[tilespmem:$0x1840] =	vst v0  }
0xc1: {  	[tilespmem:$0x1850] =	vst v0  }
0xc2: {  	[tilespmem:$0x1860] =	vst v0  }
0xc3: {  	[tilespmem:$0x1870] =	vst v0  }
0xc4: {  	[tilespmem:$0x1880] =	vst v0  }
0xc5: {  	s4 =	stileid.u32;
	[tilespmem:$0x1890] =	vst v0  }
0xc6: {  	s5 =	sshrl.u32 s4, $0x3;
	[tilespmem:$0x18A0] =	vst v0  }
0xc7: {  	s6 =	sshll.u32 s4, $0x7;
	s5 =	smul.u32 $0x6400, s5;
	[tilespmem:$0x18B0] =	vst v0  }
0xc8: {  	s6 =	sand.u32 $0x380, s6;
	[tilespmem:$0x18C0] =	vst v0  }
0xc9: {  	s25 =	smul.u32 $0x320, s4;
	s7 =	sshll.u32 s4, $0x6;
	[tilespmem:$0x18D0] =	vst v0;
	s5 =	sor.u32 s6, s5  }
0xca: {  	s28 =	simm.s32 $0x80;
	[tilespmem:$0x18E0] =	vst v0;
	s7 =	sor.u32 $0x1C01, s7;
	s5 =	sshrl.u32 s5, $0x3  }
0xcb: {  	[tilespmem:$0x18F0] =	vst v0;
	s6 =	sadd.s32 s1, s25;
	s5 =	sadd.s32 s5, s3;
	s3 =	sadd.s32 $0x2200, s3  }
0xcc: {  	[hbm:s6], [sflag:s7] =	dma.local [hbm:s3], $0x320  }
0xcd: {  	s29 =	simm.s32 $0x400;
	s30 =	simm.s32 $0x1;
	s26 =	sadd.s32 $0x800, s5  }
0xce: {  	[tilespmem:s2], [sflag:$0x1] =	stream.strided.gather [hbm4b:s26+s28], $0xC80, s29, s28, $0x38;
	[tilespmem:$0x1900] =	vst v63  }
0xcf: {  	_ =	swait.ge [sflag:s30], $0x320  }
0xd0: {  	[sflag:s30] =	ssyncset.done $0x0  }
0xd1: {  	[sflag:s30] =	ssyncadd.s32 $0xFFFFFCE0  }
0xd2: {  	_ =	swait.ge [sflag:s30], $0xC80  }
0xd3: {  	[sflag:s30] =	ssyncset.done $0x0  }
0xd4: {  	[sflag:s30] =	ssyncadd.s32 $0xFFFFF380  }
0xd5: {  	s31 =	simm.s32 $0xC80;
	[bflag:$0x0] =	sbarrier.arrive $0xFFFF  }
0xd6: {  	[hbm4b:s1+s31] =	stream.indirect.scatter [tilespmem:s31], [sflag:$0x1], $0x1, s2, s31, $0xb8;
	[tilespmem:$0x1900] =	vst v63  }
0xd7: {  	_ =	swait.ge [sflag:s30], $0xC80  }
0xd8: {  	[sflag:s30] =	ssyncset.done $0x0  }
0xd9: {  	[sflag:s30] =	ssyncadd.s32 $0xFFFFF380  }
0xda: {  	_ =	sfence.sel $0x180000  }
0xdb: {  	[bflag:$0x0] =	sbarrier.arrive $0xFFFF  }
0xdc: {  	p0 =	sne.s32 s4, $0x0;
	_ =	strace $0x90000047  }
0xdd: {  	s0 =	sadd.s32 @!p0 $0x100000, s0;
	[bflag:$0x2] =	sbarrier.arrive $0xFFFF  }
0xde: {  	[sflag:s0] =	ssyncadd.tile.s32 @!p0 $0x1;
	_ =	shalt  }
.Lfunc_end2:
_tile_overlayer_lowered:
.L_overlay_start_2:
0xdf: {  	(tag) =	ssettag $0x2  }
0xe0: {  	s0 =	rddreg [dreg:$0x0];
	s2 =	stileid.u32  }
0xe1: {  	s1 =	rddreg [dreg:$0x1];
	p0 =	sne.s32 s2, $0x0  }
0xe2: {  	s3 =	rddreg [dreg:$0x2];
	[bflag:$0x3] =	sbarrier.arrive $0xFFFF;
	s2 =	simm.s32 @!p0 $0x1C02  }
0xe3: {  	[timem:s3], [sflag:s2] =	dma.local @!p0 [hbm:s0], s1  }
0xe4: {  	s0 =	simm.s32 @!p0 $0x2  }
0xe5: {  	_ =	swait.ge @!p0 [sflag:s0], s1  }
0xe6: {  	s1 =	ssub.s32 @!p0 $0x0, s1;
	[sflag:s0] =	ssyncset.done @!p0 $0x0  }
0xe7: {  	[sflag:s0] =	ssyncadd.s32 @!p0 s1  }
0xe8: {  	[bflag:$0x3] =	sbarrier.arrive $0xFFFF  }
0xe9: {  	_ =	shalt  }

</sc_bundles>
